<compile_context>
chip_gen: v7x
topology: tpu7x:2x2x1
jax: 0.10.2.dev20260603
libtpu: 0.0.44.dev20260713+nightly
codegen_flags: <defaults>
</compile_context>

<pallas_src>
import functools

import jax
import jax.numpy as jnp
from jax import lax
from jax.experimental import pallas as pl
from jax.experimental.pallas import tpu as pltpu
from jax.experimental.pallas import tpu_sc as plsc

N = 10000
D = 128
E = 320000

NC = 2
NS = 16
HD = D // NC
K = 128
NB = 4
IB = 8
CHUNKS = 160
NBLK = CHUNKS // IB
EPT = CHUNKS * K
E_PAD = EPT * NS
DEG_W = 16
N_PAD = 10112
RPT = N_PAD // NS


@functools.partial(
    pl.kernel,
    mesh=plsc.VectorSubcoreMesh(core_axis_name="c", subcore_axis_name="s"),
    compiler_params=pltpu.CompilerParams(use_tc_tiling_on_sc=False),
    out_type=[
        jax.ShapeDtypeStruct((NC, N_PAD, HD), jnp.float32),
        jax.ShapeDtypeStruct((N_PAD, DEG_W), jnp.float32),
    ],
    scratch_types=[
        pltpu.VMEM((NB, K, HD), jnp.float32),
        pltpu.VMEM((K, DEG_W), jnp.float32),
        pltpu.VMEM((2, IB, K), jnp.int32),
        pltpu.VMEM((2, IB, K), jnp.int32),
        pltpu.VMEM_SHARED((N_PAD, HD), jnp.float32),
        pltpu.VMEM_SHARED((N_PAD, HD), jnp.float32),
        pltpu.VMEM_SHARED((N_PAD, DEG_W), jnp.float32),
        pltpu.SemaphoreType.DMA,
        pltpu.SemaphoreType.DMA,
        pltpu.SemaphoreType.DMA,
        pltpu.SemaphoreType.DMA,
        pltpu.SemaphoreType.DMA,
        pltpu.SemaphoreType.DMA,
        pltpu.SemaphoreType.DMA,
        pltpu.SemaphoreType.DMA,
        pltpu.SemaphoreType.DMA,
        pltpu.SemaphoreType.DMA,
        pltpu.SemaphoreType.DMA,
        pltpu.SemaphoreType.DMA,
    ],
)
def _sc_propagate(y_hbm, src_hbm, dst_hbm, zacc_hbm,
                  acc_out, deg_out,
                  rows, ones, src_blk, dst_blk, y_sh, acc_sh, deg_sh,
                  sg0, sg1, sg2, sg3, ss0, ss1, ss2, ss3, sd0, sd1,
                  si0, si1):
    cid = lax.axis_index("c")
    sid = lax.axis_index("s")
    sg = (sg0, sg1, sg2, sg3)
    ss = (ss0, ss1, ss2, ss3)
    sd = (sd0, sd1)

    pltpu.sync_copy(y_hbm.at[cid, pl.ds(sid * RPT, RPT)],
                    y_sh.at[pl.ds(sid * RPT, RPT)])

    pltpu.sync_copy(zacc_hbm, acc_sh.at[pl.ds(sid * RPT, RPT)])

    @pl.when(cid == 0)
    def _():
        pltpu.sync_copy(zacc_hbm.at[:, pl.ds(0, DEG_W)],
                        deg_sh.at[pl.ds(sid * RPT, RPT)])

    ov = jnp.ones((16,), jnp.float32)

    def _fill_ones(i, carry):
        ones[i, pl.ds(0, 16)] = ov
        return carry
    lax.fori_loop(0, K, _fill_ones, 0)

    plsc.subcore_barrier()

    def _gather(pb, row, rb):
        return pltpu.make_async_copy(
            y_sh.at[src_blk.at[pb, row]], rows.at[rb], sg[rb])

    def _scatter(pb, row, rb):
        return pltpu.make_async_copy(
            rows.at[rb], acc_sh.at[dst_blk.at[pb, row]], ss[rb])

    def _deg_scatter(pb, row, p):
        return pltpu.make_async_copy(
            ones, deg_sh.at[dst_blk.at[pb, row]], sd[p])

    def _idx_copies(nbn, pb):
        return (
            pltpu.make_async_copy(
                src_hbm.at[sid, pl.ds(nbn * IB, IB)], src_blk.at[pb], si0),
            pltpu.make_async_copy(
                dst_hbm.at[sid, pl.ds(nbn * IB, IB)], dst_blk.at[pb], si1),
        )

    for c in _idx_copies(0, 0):
        c.start()
    for c in _idx_copies(0, 0):
        c.wait()
    _gather(0, 0, 0).start()
    _gather(0, 1, 1).start()

    def _block(nb, carry):
        cur = lax.rem(nb, 2)
        oth = 1 - cur
        for b in range(IB):
            rb = b % NB
            _gather(cur, b, rb).wait()

            def _wait_sc():
                _scatter(cur, b, (b + 2) % NB).wait()

            if b >= 2:
                _wait_sc()
            else:
                @pl.when(nb >= 1)
                def _():
                    _wait_sc()

            @pl.when(cid == 0)
            def _():
                def _wait_dg():
                    _deg_scatter(cur, b, b % 2).wait()
                if b >= 2:
                    _wait_dg()
                else:
                    @pl.when(nb >= 1)
                    def _():
                        _wait_dg()
                _deg_scatter(cur, b, b % 2).start(add=True)

            if b == 2:
                @pl.when(nb < NBLK - 1)
                def _():
                    for c in _idx_copies(nb + 1, oth):
                        c.start()

            if b <= IB - 3:
                _gather(cur, b + 2, (b + 2) % NB).start()
            else:
                if b == IB - 2:
                    @pl.when(nb < NBLK - 1)
                    def _():
                        for c in _idx_copies(nb + 1, oth):
                            c.wait()

                @pl.when(nb < NBLK - 1)
                def _():
                    _gather(oth, b - (IB - 2), (b + 2) % NB).start()

            _scatter(cur, b, rb).start(add=True)
        return carry
    lax.fori_loop(0, NBLK, _block, 0)

    _scatter(0, 0, (CHUNKS - 2) % NB).wait()
    _scatter(0, 0, (CHUNKS - 1) % NB).wait()

    @pl.when(cid == 0)
    def _():
        _deg_scatter(0, 0, 0).wait()
        _deg_scatter(0, 0, 1).wait()

    plsc.subcore_barrier()

    pltpu.sync_copy(acc_sh.at[pl.ds(sid * RPT, RPT)],
                    acc_out.at[cid, pl.ds(sid * RPT, RPT)])

    @pl.when(cid == 0)
    def _():
        pltpu.sync_copy(deg_sh.at[pl.ds(sid * RPT, RPT)],
                        deg_out.at[pl.ds(sid * RPT, RPT)])


_BLK = 400


def _combine_body(acc_ref, deg_ref, out_ref):
    d = jnp.maximum(jnp.sum(deg_ref[...], axis=1) * (1.0 / DEG_W),
                    1.0).reshape(_BLK, 1)
    out_ref[:, 0:HD] = acc_ref[0] / d
    out_ref[:, HD:D] = acc_ref[1] / d


def _combine(acc_p, deg_p):
    return pl.pallas_call(
        _combine_body,
        grid=(N // _BLK,),
        in_specs=[
            pl.BlockSpec((NC, _BLK, HD), lambda i: (0, i, 0)),
            pl.BlockSpec((_BLK, DEG_W), lambda i: (i, 0)),
        ],
        out_specs=pl.BlockSpec((_BLK, D), lambda i: (i, 0)),
        out_shape=jax.ShapeDtypeStruct((N, D), jnp.float32),
    )(acc_p, deg_p)


@jax.jit
def kernel(y_author, y_paper, y_venue, edge_author_paper, edge_paper_author,
           edge_paper_venue, edge_venue_paper):
    src = edge_paper_author[0].astype(jnp.int32)
    dst = edge_paper_author[1].astype(jnp.int32)
    pad = E_PAD - E
    src = jnp.concatenate([src, jnp.zeros((pad,), jnp.int32)])
    dst = jnp.concatenate([dst, jnp.full((pad,), N, jnp.int32)])
    src = src.reshape(NS, CHUNKS, K)
    dst = dst.reshape(NS, CHUNKS, K)
    y_halves = jnp.stack([y_paper[:, :HD], y_paper[:, HD:]])
    y_st = jnp.zeros((NC, N_PAD, HD), jnp.float32)
    y_st = y_st.at[:, :N].set(y_halves)
    zacc = jnp.zeros((RPT, HD), jnp.float32)
    acc_p, deg_p = _sc_propagate(y_st, src, dst, zacc)
    return _combine(acc_p, deg_p)

# --- scband reference (transcript-rebuilt; emitter-appended) ---
"""Pipeline reference for scband-hetero-label-propagate-along-mp-45930380263450 (READ-ONLY COPY).

The authoritative reference and input builder live on the scoring server;
editing this copy changes nothing except your own understanding.
"""

import jax, jax.numpy as jnp
import numpy as np

N = 10000
D = 128
E = 320000


def setup_inputs(seed: int = 0) -> dict:
    key = jax.random.key(seed)
    ks = jax.random.split(key, 7)
    y_author = jax.random.uniform(ks[0], (N, D), dtype=jnp.float32)
    y_paper = jax.random.uniform(ks[1], (N, D), dtype=jnp.float32)
    y_venue = jax.random.uniform(ks[2], (N, D), dtype=jnp.float32)
    edge_author_paper = jax.random.randint(ks[3], (2, E), 0, N)
    edge_paper_author = jax.random.randint(ks[4], (2, E), 0, N)
    edge_paper_venue = jax.random.randint(ks[5], (2, E), 0, N)
    edge_venue_paper = jax.random.randint(ks[6], (2, E), 0, N)
    return {
        "y_author": y_author,
        "y_paper": y_paper,
        "y_venue": y_venue,
        "edge_author_paper": edge_author_paper,
        "edge_paper_author": edge_paper_author,
        "edge_paper_venue": edge_paper_venue,
        "edge_venue_paper": edge_venue_paper,
    }


def _one_hop_propagate(y_src, edge_index, n_dst):
    # HeteroOneHopMessagePassing: mean of source-type labels over incoming edges
    src = edge_index[0]
    dst = edge_index[1]
    msg = jnp.take(y_src, src, axis=0)                       # gather  [E, D]
    agg = jax.ops.segment_sum(msg, dst, num_segments=n_dst)  # scatter-add [n_dst, D]
    deg = jax.ops.segment_sum(jnp.ones((edge_index.shape[1],), dtype=y_src.dtype), dst, num_segments=n_dst)
    return agg / jnp.clip(deg, 1.0)[:, None]


def reference(y_author, y_paper, y_venue,
              edge_author_paper, edge_paper_author,
              edge_paper_venue, edge_venue_paper):
    # metapath = [author, paper, venue]
    # conv0: relations (author->paper) and (paper->author), aggr='sum' across relations
    out_paper = _one_hop_propagate(y_author, edge_author_paper, y_paper.shape[0])
    out_author = _one_hop_propagate(y_paper, edge_paper_author, y_author.shape[0])
    # y_dict.update(out_dict)
    y_author, y_paper = out_author, out_paper
    # conv1: relations (paper->venue) and (venue->paper), computed from current y_dict
    out_venue = _one_hop_propagate(y_paper, edge_paper_venue, y_venue.shape[0])
    out_paper2 = _one_hop_propagate(y_venue, edge_venue_paper, y_paper.shape[0])
    y_paper, y_venue = out_paper2, out_venue
    # return y_dict[metapath[0]]
    return y_author

if __name__ == "__main__":
    import jax
    _d = setup_inputs()
    print(jax.jit(kernel)(*tuple(_d.values())))

</pallas_src>

<mosaic_0001>
#map = affine_map<(d0, d1) -> (0, 0, 0)>
#map1 = affine_map<(d0, d1) -> (0, 0)>
module attributes {stable_mosaic.version = 14 : i64} {
  func.func @_sc_propagate(%arg0: i32, %arg1: i32, %arg2: memref<2x10112x64xf32, #tpu.memory_space<hbm>>, %arg3: memref<16x160x128xi32, #tpu.memory_space<hbm>>, %arg4: memref<16x160x128xi32, #tpu.memory_space<hbm>>, %arg5: memref<632x64xf32, #tpu.memory_space<hbm>>, %arg6: memref<2x10112x64xf32, #tpu.memory_space<hbm>>, %arg7: memref<10112x16xf32, #tpu.memory_space<hbm>>, %arg8: memref<4x128x64xf32, #tpu.memory_space<vmem>>, %arg9: memref<128x16xf32, #tpu.memory_space<vmem>>, %arg10: memref<2x8x128xi32, #tpu.memory_space<vmem>>, %arg11: memref<2x8x128xi32, #tpu.memory_space<vmem>>, %arg12: memref<10112x64xf32, #tpu.memory_space<vmem_shared>>, %arg13: memref<10112x64xf32, #tpu.memory_space<vmem_shared>>, %arg14: memref<10112x16xf32, #tpu.memory_space<vmem_shared>>, %arg15: memref<!tpu.dma_semaphore, #tpu.memory_space<semaphore_mem>>, %arg16: memref<!tpu.dma_semaphore, #tpu.memory_space<semaphore_mem>>, %arg17: memref<!tpu.dma_semaphore, #tpu.memory_space<semaphore_mem>>, %arg18: memref<!tpu.dma_semaphore, #tpu.memory_space<semaphore_mem>>, %arg19: memref<!tpu.dma_semaphore, #tpu.memory_space<semaphore_mem>>, %arg20: memref<!tpu.dma_semaphore, #tpu.memory_space<semaphore_mem>>, %arg21: memref<!tpu.dma_semaphore, #tpu.memory_space<semaphore_mem>>, %arg22: memref<!tpu.dma_semaphore, #tpu.memory_space<semaphore_mem>>, %arg23: memref<!tpu.dma_semaphore, #tpu.memory_space<semaphore_mem>>, %arg24: memref<!tpu.dma_semaphore, #tpu.memory_space<semaphore_mem>>, %arg25: memref<!tpu.dma_semaphore, #tpu.memory_space<semaphore_mem>>, %arg26: memref<!tpu.dma_semaphore, #tpu.memory_space<semaphore_mem>>) attributes {dimension_semantics = [#tpu.dimension_semantics<core_parallel>, #tpu.dimension_semantics<subcore_parallel>], iteration_bounds = array<i64: 2, 16>, scalar_prefetch = 0 : i64, scratch_operands = 19 : i64, tpu.core_type = #tpu.core_type<sc_vector_subcore>, window_params = [{transform_indices = #map}, {transform_indices = #map}, {transform_indices = #map}, {transform_indices = #map1}, {transform_indices = #map}, {transform_indices = #map1}]} {
    %mul3A = arith.constant 632 : i32
    %mul3A_0 = arith.muli %arg1, %mul3A : i32
    %mul3A_1 = arith.constant 632 : i32
    %mul3A_2 = arith.muli %arg1, %mul3A_1 : i32
    "tpu.region"() ({
      %run_scoped3A = tpu.sem_alloc : memref<!tpu.dma_semaphore, #tpu.memory_space<semaphore_mem>>
      %dma_start3A_152 = arith.constant 0 : i32
      %dma_start3A_153 = tpu.memref_slice %arg12[%mul3A_2, %dma_start3A_152] : memref<10112x64xf32, #tpu.memory_space<vmem_shared>> -> memref<632x64xf32, #tpu.memory_space<vmem_shared>>
      %dma_start3A_154 = arith.constant 0 : i32
      %dma_start3A_155 = tpu.memref_slice %arg2[%arg0, %mul3A_0, %dma_start3A_154] : memref<2x10112x64xf32, #tpu.memory_space<hbm>> -> memref<1x632x64xf32, #tpu.memory_space<hbm>>
      %dma_start3A_156 = tpu.memref_squeeze %dma_start3A_155 : memref<1x632x64xf32, #tpu.memory_space<hbm>> -> memref<632x64xf32, #tpu.memory_space<hbm>>
      tpu.enqueue_dma source(%dma_start3A_156 : memref<632x64xf32, #tpu.memory_space<hbm>>) target(%dma_start3A_153 : memref<632x64xf32, #tpu.memory_space<vmem_shared>>) target_semaphore(%run_scoped3A : memref<!tpu.dma_semaphore, #tpu.memory_space<semaphore_mem>>)
      %dma_wait3A_157 = arith.constant 0 : i32
      %dma_wait3A_158 = tpu.memref_slice %arg12[%mul3A_2, %dma_wait3A_157] : memref<10112x64xf32, #tpu.memory_space<vmem_shared>> -> memref<632x64xf32, #tpu.memory_space<vmem_shared>>
      %dma_wait3A_159 = arith.constant 0 : i32
      %dma_wait3A_160 = tpu.memref_slice %arg2[%arg0, %mul3A_0, %dma_wait3A_159] : memref<2x10112x64xf32, #tpu.memory_space<hbm>> -> memref<1x632x64xf32, #tpu.memory_space<hbm>>
      %dma_wait3A_161 = tpu.memref_squeeze %dma_wait3A_160 : memref<1x632x64xf32, #tpu.memory_space<hbm>> -> memref<632x64xf32, #tpu.memory_space<hbm>>
      tpu.wait_dma2 semaphore(%run_scoped3A : memref<!tpu.dma_semaphore, #tpu.memory_space<semaphore_mem>>) src(%dma_wait3A_161 : memref<632x64xf32, #tpu.memory_space<hbm>>) dst(%dma_wait3A_158 : memref<632x64xf32, #tpu.memory_space<vmem_shared>>)
      tpu.yield
    }) : () -> ()
    %mul3A_3 = arith.constant 632 : i32
    %mul3A_4 = arith.muli %arg1, %mul3A_3 : i32
    "tpu.region"() ({
      %run_scoped3A = tpu.sem_alloc : memref<!tpu.dma_semaphore, #tpu.memory_space<semaphore_mem>>
      %dma_start3A_152 = arith.constant 0 : i32
      %dma_start3A_153 = tpu.memref_slice %arg13[%mul3A_4, %dma_start3A_152] : memref<10112x64xf32, #tpu.memory_space<vmem_shared>> -> memref<632x64xf32, #tpu.memory_space<vmem_shared>>
      tpu.enqueue_dma source(%arg5 : memref<632x64xf32, #tpu.memory_space<hbm>>) target(%dma_start3A_153 : memref<632x64xf32, #tpu.memory_space<vmem_shared>>) target_semaphore(%run_scoped3A : memref<!tpu.dma_semaphore, #tpu.memory_space<semaphore_mem>>)
      %dma_wait3A_154 = arith.constant 0 : i32
      %dma_wait3A_155 = tpu.memref_slice %arg13[%mul3A_4, %dma_wait3A_154] : memref<10112x64xf32, #tpu.memory_space<vmem_shared>> -> memref<632x64xf32, #tpu.memory_space<vmem_shared>>
      tpu.wait_dma2 semaphore(%run_scoped3A : memref<!tpu.dma_semaphore, #tpu.memory_space<semaphore_mem>>) src(%arg5 : memref<632x64xf32, #tpu.memory_space<hbm>>) dst(%dma_wait3A_155 : memref<632x64xf32, #tpu.memory_space<vmem_shared>>)
      tpu.yield
    }) : () -> ()
    %eq3A = arith.constant 0 : i32
    %eq3A_5 = arith.cmpi eq, %arg0, %eq3A : i32
    %convert_element_type3A = arith.extui %eq3A_5 : i1 to i32
    %cond3A = arith.constant 0 : i32
    %cond3A_6 = arith.cmpi ne, %convert_element_type3A, %cond3A : i32
    scf.if %cond3A_6 {
      %mul3A_152 = arith.constant 632 : i32
      %mul3A_153 = arith.muli %arg1, %mul3A_152 : i32
      "tpu.region"() ({
        %run_scoped3A = tpu.sem_alloc : memref<!tpu.dma_semaphore, #tpu.memory_space<semaphore_mem>>
        %dma_start3A_154 = arith.constant 0 : i32
        %dma_start3A_155 = tpu.memref_slice %arg14[%mul3A_153, %dma_start3A_154] : memref<10112x16xf32, #tpu.memory_space<vmem_shared>> -> memref<632x16xf32, #tpu.memory_space<vmem_shared>>
        %dma_start3A_156 = arith.constant 0 : i32
        %dma_start3A_157 = arith.constant 0 : i32
        %dma_start3A_158 = tpu.memref_slice %arg5[%dma_start3A_156, %dma_start3A_157] : memref<632x64xf32, #tpu.memory_space<hbm>> -> memref<632x16xf32, #tpu.memory_space<hbm>>
        tpu.enqueue_dma source(%dma_start3A_158 : memref<632x16xf32, #tpu.memory_space<hbm>>) target(%dma_start3A_155 : memref<632x16xf32, #tpu.memory_space<vmem_shared>>) target_semaphore(%run_scoped3A : memref<!tpu.dma_semaphore, #tpu.memory_space<semaphore_mem>>)
        %dma_wait3A_159 = arith.constant 0 : i32
        %dma_wait3A_160 = tpu.memref_slice %arg14[%mul3A_153, %dma_wait3A_159] : memref<10112x16xf32, #tpu.memory_space<vmem_shared>> -> memref<632x16xf32, #tpu.memory_space<vmem_shared>>
        %dma_wait3A_161 = arith.constant 0 : i32
        %dma_wait3A_162 = arith.constant 0 : i32
        %dma_wait3A_163 = tpu.memref_slice %arg5[%dma_wait3A_161, %dma_wait3A_162] : memref<632x64xf32, #tpu.memory_space<hbm>> -> memref<632x16xf32, #tpu.memory_space<hbm>>
        tpu.wait_dma2 semaphore(%run_scoped3A : memref<!tpu.dma_semaphore, #tpu.memory_space<semaphore_mem>>) src(%dma_wait3A_163 : memref<632x16xf32, #tpu.memory_space<hbm>>) dst(%dma_wait3A_160 : memref<632x16xf32, #tpu.memory_space<vmem_shared>>)
        tpu.yield
      }) : () -> ()
    } else {
    }
    %broadcast_in_dim3A = arith.constant 1.000000e+00 : f32
    %broadcast_in_dim3A_7 = vector.broadcast %broadcast_in_dim3A : f32 to vector<16xf32>
    %scan3A = arith.constant 0 : i32
    %scan3A_8 = arith.constant 0 : i32
    %scan3A_9 = arith.constant 128 : i32
    %scan3A_10 = arith.addi %scan3A_8, %scan3A_9 : i32
    %scan3A_11 = arith.constant 1 : i32
    scf.for %scan3A_152 = %scan3A_8 to %scan3A_10 step %scan3A_11  : i32 {
      %swap3A = arith.index_cast %scan3A_152 : i32 to index
      %swap3A_153 = arith.constant 0 : index
      %swap3A_154 = tpu.vector_load %arg9[%swap3A, %swap3A_153] {strides = array<i32>} : memref<128x16xf32, #tpu.memory_space<vmem>>, vector<1x16xf32>,
      %swap3A_155 = vector.shape_cast %swap3A_154 : vector<1x16xf32> to vector<16xf32>
      %swap3A_156 = vector.shape_cast %broadcast_in_dim3A_7 : vector<16xf32> to vector<1x16xf32>
      tpu.vector_store %arg9[%swap3A, %swap3A_153], %swap3A_156 {strides = array<i32>} : memref<128x16xf32, #tpu.memory_space<vmem>>, vector<1x16xf32>,
    }
    %scan3A_12 = arith.constant 128 : i32
    %barrier3A = arith.constant 0 : index
    tpu.barrier barrier_id(%barrier3A)
    %dma_start3A = arith.constant 0 : i32
    %dma_start3A_13 = arith.constant 0 : i32
    %dma_start3A_14 = arith.constant 0 : i32
    %dma_start3A_15 = tpu.memref_slice %arg10[%dma_start3A, %dma_start3A_13, %dma_start3A_14] : memref<2x8x128xi32, #tpu.memory_space<vmem>> -> memref<1x8x128xi32, #tpu.memory_space<vmem>>
    %dma_start3A_16 = tpu.memref_squeeze %dma_start3A_15 : memref<1x8x128xi32, #tpu.memory_space<vmem>> -> memref<8x128xi32, #tpu.memory_space<vmem>>
    %dma_start3A_17 = arith.constant 0 : i32
    %dma_start3A_18 = arith.constant 0 : i32
    %dma_start3A_19 = tpu.memref_slice %arg3[%arg1, %dma_start3A_17, %dma_start3A_18] : memref<16x160x128xi32, #tpu.memory_space<hbm>> -> memref<1x8x128xi32, #tpu.memory_space<hbm>>
    %dma_start3A_20 = tpu.memref_squeeze %dma_start3A_19 : memref<1x8x128xi32, #tpu.memory_space<hbm>> -> memref<8x128xi32, #tpu.memory_space<hbm>>
    %dma_start3A_21 = arith.constant 0 : i32
    %dma_start3A_22 = arith.constant 0 : i32
    %dma_start3A_23 = tpu.memref_slice %arg10[%dma_start3A, %dma_start3A_21, %dma_start3A_22] : memref<2x8x128xi32, #tpu.memory_space<vmem>> -> memref<1x8x128xi32, #tpu.memory_space<vmem>>
    %dma_start3A_24 = tpu.memref_squeeze %dma_start3A_23 : memref<1x8x128xi32, #tpu.memory_space<vmem>> -> memref<8x128xi32, #tpu.memory_space<vmem>>
    %dma_start3A_25 = arith.constant 0 : i32
    %dma_start3A_26 = arith.constant 0 : i32
    %dma_start3A_27 = tpu.memref_slice %arg3[%arg1, %dma_start3A_25, %dma_start3A_26] : memref<16x160x128xi32, #tpu.memory_space<hbm>> -> memref<1x8x128xi32, #tpu.memory_space<hbm>>
    %dma_start3A_28 = tpu.memref_squeeze %dma_start3A_27 : memref<1x8x128xi32, #tpu.memory_space<hbm>> -> memref<8x128xi32, #tpu.memory_space<hbm>>
    tpu.enqueue_dma source(%dma_start3A_28 : memref<8x128xi32, #tpu.memory_space<hbm>>) target(%dma_start3A_24 : memref<8x128xi32, #tpu.memory_space<vmem>>) target_semaphore(%arg25 : memref<!tpu.dma_semaphore, #tpu.memory_space<semaphore_mem>>)
    %dma_start3A_29 = arith.constant 0 : i32
    %dma_start3A_30 = arith.constant 0 : i32
    %dma_start3A_31 = arith.constant 0 : i32
    %dma_start3A_32 = tpu.memref_slice %arg11[%dma_start3A_29, %dma_start3A_30, %dma_start3A_31] : memref<2x8x128xi32, #tpu.memory_space<vmem>> -> memref<1x8x128xi32, #tpu.memory_space<vmem>>
    %dma_start3A_33 = tpu.memref_squeeze %dma_start3A_32 : memref<1x8x128xi32, #tpu.memory_space<vmem>> -> memref<8x128xi32, #tpu.memory_space<vmem>>
    %dma_start3A_34 = arith.constant 0 : i32
    %dma_start3A_35 = arith.constant 0 : i32
    %dma_start3A_36 = tpu.memref_slice %arg4[%arg1, %dma_start3A_34, %dma_start3A_35] : memref<16x160x128xi32, #tpu.memory_space<hbm>> -> memref<1x8x128xi32, #tpu.memory_space<hbm>>
    %dma_start3A_37 = tpu.memref_squeeze %dma_start3A_36 : memref<1x8x128xi32, #tpu.memory_space<hbm>> -> memref<8x128xi32, #tpu.memory_space<hbm>>
    %dma_start3A_38 = arith.constant 0 : i32
    %dma_start3A_39 = arith.constant 0 : i32
    %dma_start3A_40 = tpu.memref_slice %arg11[%dma_start3A_29, %dma_start3A_38, %dma_start3A_39] : memref<2x8x128xi32, #tpu.memory_space<vmem>> -> memref<1x8x128xi32, #tpu.memory_space<vmem>>
    %dma_start3A_41 = tpu.memref_squeeze %dma_start3A_40 : memref<1x8x128xi32, #tpu.memory_space<vmem>> -> memref<8x128xi32, #tpu.memory_space<vmem>>
    %dma_start3A_42 = arith.constant 0 : i32
    %dma_start3A_43 = arith.constant 0 : i32
    %dma_start3A_44 = tpu.memref_slice %arg4[%arg1, %dma_start3A_42, %dma_start3A_43] : memref<16x160x128xi32, #tpu.memory_space<hbm>> -> memref<1x8x128xi32, #tpu.memory_space<hbm>>
    %dma_start3A_45 = tpu.memref_squeeze %dma_start3A_44 : memref<1x8x128xi32, #tpu.memory_space<hbm>> -> memref<8x128xi32, #tpu.memory_space<hbm>>
    tpu.enqueue_dma source(%dma_start3A_45 : memref<8x128xi32, #tpu.memory_space<hbm>>) target(%dma_start3A_41 : memref<8x128xi32, #tpu.memory_space<vmem>>) target_semaphore(%arg26 : memref<!tpu.dma_semaphore, #tpu.memory_space<semaphore_mem>>)
    %dma_wait3A = arith.constant 0 : i32
    %dma_wait3A_46 = arith.constant 0 : i32
    %dma_wait3A_47 = arith.constant 0 : i32
    %dma_wait3A_48 = tpu.memref_slice %arg10[%dma_wait3A, %dma_wait3A_46, %dma_wait3A_47] : memref<2x8x128xi32, #tpu.memory_space<vmem>> -> memref<1x8x128xi32, #tpu.memory_space<vmem>>
    %dma_wait3A_49 = tpu.memref_squeeze %dma_wait3A_48 : memref<1x8x128xi32, #tpu.memory_space<vmem>> -> memref<8x128xi32, #tpu.memory_space<vmem>>
    %dma_wait3A_50 = arith.constant 0 : i32
    %dma_wait3A_51 = arith.constant 0 : i32
    %dma_wait3A_52 = tpu.memref_slice %arg3[%arg1, %dma_wait3A_50, %dma_wait3A_51] : memref<16x160x128xi32, #tpu.memory_space<hbm>> -> memref<1x8x128xi32, #tpu.memory_space<hbm>>
    %dma_wait3A_53 = tpu.memref_squeeze %dma_wait3A_52 : memref<1x8x128xi32, #tpu.memory_space<hbm>> -> memref<8x128xi32, #tpu.memory_space<hbm>>
    %dma_wait3A_54 = arith.constant 0 : i32
    %dma_wait3A_55 = arith.constant 0 : i32
    %dma_wait3A_56 = tpu.memref_slice %arg10[%dma_wait3A, %dma_wait3A_54, %dma_wait3A_55] : memref<2x8x128xi32, #tpu.memory_space<vmem>> -> memref<1x8x128xi32, #tpu.memory_space<vmem>>
    %dma_wait3A_57 = tpu.memref_squeeze %dma_wait3A_56 : memref<1x8x128xi32, #tpu.memory_space<vmem>> -> memref<8x128xi32, #tpu.memory_space<vmem>>
    %dma_wait3A_58 = arith.constant 0 : i32
    %dma_wait3A_59 = arith.constant 0 : i32
    %dma_wait3A_60 = tpu.memref_slice %arg3[%arg1, %dma_wait3A_58, %dma_wait3A_59] : memref<16x160x128xi32, #tpu.memory_space<hbm>> -> memref<1x8x128xi32, #tpu.memory_space<hbm>>
    %dma_wait3A_61 = tpu.memref_squeeze %dma_wait3A_60 : memref<1x8x128xi32, #tpu.memory_space<hbm>> -> memref<8x128xi32, #tpu.memory_space<hbm>>
    tpu.wait_dma2 semaphore(%arg25 : memref<!tpu.dma_semaphore, #tpu.memory_space<semaphore_mem>>) src(%dma_wait3A_61 : memref<8x128xi32, #tpu.memory_space<hbm>>) dst(%dma_wait3A_57 : memref<8x128xi32, #tpu.memory_space<vmem>>)
    %dma_wait3A_62 = arith.constant 0 : i32
    %dma_wait3A_63 = arith.constant 0 : i32
    %dma_wait3A_64 = arith.constant 0 : i32
    %dma_wait3A_65 = tpu.memref_slice %arg11[%dma_wait3A_62, %dma_wait3A_63, %dma_wait3A_64] : memref<2x8x128xi32, #tpu.memory_space<vmem>> -> memref<1x8x128xi32, #tpu.memory_space<vmem>>
    %dma_wait3A_66 = tpu.memref_squeeze %dma_wait3A_65 : memref<1x8x128xi32, #tpu.memory_space<vmem>> -> memref<8x128xi32, #tpu.memory_space<vmem>>
    %dma_wait3A_67 = arith.constant 0 : i32
    %dma_wait3A_68 = arith.constant 0 : i32
    %dma_wait3A_69 = tpu.memref_slice %arg4[%arg1, %dma_wait3A_67, %dma_wait3A_68] : memref<16x160x128xi32, #tpu.memory_space<hbm>> -> memref<1x8x128xi32, #tpu.memory_space<hbm>>
    %dma_wait3A_70 = tpu.memref_squeeze %dma_wait3A_69 : memref<1x8x128xi32, #tpu.memory_space<hbm>> -> memref<8x128xi32, #tpu.memory_space<hbm>>
    %dma_wait3A_71 = arith.constant 0 : i32
    %dma_wait3A_72 = arith.constant 0 : i32
    %dma_wait3A_73 = tpu.memref_slice %arg11[%dma_wait3A_62, %dma_wait3A_71, %dma_wait3A_72] : memref<2x8x128xi32, #tpu.memory_space<vmem>> -> memref<1x8x128xi32, #tpu.memory_space<vmem>>
    %dma_wait3A_74 = tpu.memref_squeeze %dma_wait3A_73 : memref<1x8x128xi32, #tpu.memory_space<vmem>> -> memref<8x128xi32, #tpu.memory_space<vmem>>
    %dma_wait3A_75 = arith.constant 0 : i32
    %dma_wait3A_76 = arith.constant 0 : i32
    %dma_wait3A_77 = tpu.memref_slice %arg4[%arg1, %dma_wait3A_75, %dma_wait3A_76] : memref<16x160x128xi32, #tpu.memory_space<hbm>> -> memref<1x8x128xi32, #tpu.memory_space<hbm>>
    %dma_wait3A_78 = tpu.memref_squeeze %dma_wait3A_77 : memref<1x8x128xi32, #tpu.memory_space<hbm>> -> memref<8x128xi32, #tpu.memory_space<hbm>>
    tpu.wait_dma2 semaphore(%arg26 : memref<!tpu.dma_semaphore, #tpu.memory_space<semaphore_mem>>) src(%dma_wait3A_78 : memref<8x128xi32, #tpu.memory_space<hbm>>) dst(%dma_wait3A_74 : memref<8x128xi32, #tpu.memory_space<vmem>>)
    %dma_start3A_79 = arith.constant 0 : i32
    %dma_start3A_80 = arith.constant 0 : i32
    %dma_start3A_81 = arith.constant 0 : i32
    %dma_start3A_82 = arith.constant 0 : i32
    %dma_start3A_83 = arith.constant 0 : i32
    %dma_start3A_84 = tpu.memref_slice %arg8[%dma_start3A_81, %dma_start3A_82, %dma_start3A_83] : memref<4x128x64xf32, #tpu.memory_space<vmem>> -> memref<1x128x64xf32, #tpu.memory_space<vmem>>
    %dma_start3A_85 = tpu.memref_squeeze %dma_start3A_84 : memref<1x128x64xf32, #tpu.memory_space<vmem>> -> memref<128x64xf32, #tpu.memory_space<vmem>>
    %dma_start3A_86 = arith.constant 0 : i32
    %dma_start3A_87 = tpu.memref_slice %arg10[%dma_start3A_79, %dma_start3A_80, %dma_start3A_86] : memref<2x8x128xi32, #tpu.memory_space<vmem>> -> memref<1x1x128xi32, #tpu.memory_space<vmem>>
    %dma_start3A_88 = tpu.memref_squeeze %dma_start3A_87 : memref<1x1x128xi32, #tpu.memory_space<vmem>> -> memref<128xi32, #tpu.memory_space<vmem>>
    %dma_start3A_89 = arith.constant 0 : i32
    %dma_start3A_90 = arith.constant 0 : i32
    %dma_start3A_91 = tpu.memref_slice %arg12[%dma_start3A_89, %dma_start3A_90] : memref<10112x64xf32, #tpu.memory_space<vmem_shared>> -> memref<10112x64xf32, #tpu.memory_space<vmem_shared>>
    tpu.enqueue_indirect_dma source(%dma_start3A_91 : memref<10112x64xf32, #tpu.memory_space<vmem_shared>>) target(%dma_start3A_85 : memref<128x64xf32, #tpu.memory_space<vmem>>) offsets(%dma_start3A_88 : memref<128xi32, #tpu.memory_space<vmem>>) semaphore(%arg15 : memref<!tpu.dma_semaphore, #tpu.memory_space<semaphore_mem>>)
    %dma_start3A_92 = arith.constant 0 : i32
    %dma_start3A_93 = arith.constant 1 : i32
    %dma_start3A_94 = arith.constant 1 : i32
    %dma_start3A_95 = arith.constant 0 : i32
    %dma_start3A_96 = arith.constant 0 : i32
    %dma_start3A_97 = tpu.memref_slice %arg8[%dma_start3A_94, %dma_start3A_95, %dma_start3A_96] : memref<4x128x64xf32, #tpu.memory_space<vmem>> -> memref<1x128x64xf32, #tpu.memory_space<vmem>>
    %dma_start3A_98 = tpu.memref_squeeze %dma_start3A_97 : memref<1x128x64xf32, #tpu.memory_space<vmem>> -> memref<128x64xf32, #tpu.memory_space<vmem>>
    %dma_start3A_99 = arith.constant 0 : i32
    %dma_start3A_100 = tpu.memref_slice %arg10[%dma_start3A_92, %dma_start3A_93, %dma_start3A_99] : memref<2x8x128xi32, #tpu.memory_space<vmem>> -> memref<1x1x128xi32, #tpu.memory_space<vmem>>
    %dma_start3A_101 = tpu.memref_squeeze %dma_start3A_100 : memref<1x1x128xi32, #tpu.memory_space<vmem>> -> memref<128xi32, #tpu.memory_space<vmem>>
    %dma_start3A_102 = arith.constant 0 : i32
    %dma_start3A_103 = arith.constant 0 : i32
    %dma_start3A_104 = tpu.memref_slice %arg12[%dma_start3A_102, %dma_start3A_103] : memref<10112x64xf32, #tpu.memory_space<vmem_shared>> -> memref<10112x64xf32, #tpu.memory_space<vmem_shared>>
    tpu.enqueue_indirect_dma source(%dma_start3A_104 : memref<10112x64xf32, #tpu.memory_space<vmem_shared>>) target(%dma_start3A_98 : memref<128x64xf32, #tpu.memory_space<vmem>>) offsets(%dma_start3A_101 : memref<128xi32, #tpu.memory_space<vmem>>) semaphore(%arg16 : memref<!tpu.dma_semaphore, #tpu.memory_space<semaphore_mem>>)
    %scan3A_105 = arith.constant 0 : i32
    %scan3A_106 = arith.constant 0 : i32
    %scan3A_107 = arith.constant 20 : i32
    %scan3A_108 = arith.addi %scan3A_106, %scan3A_107 : i32
    %scan3A_109 = arith.constant 1 : i32
    scf.for %scan3A_152 = %scan3A_106 to %scan3A_108 step %scan3A_109  : i32 {
      %rem3A = arith.constant 2 : i32
      %rem3A_153 = arith.remsi %scan3A_152, %rem3A : i32
      %sub3A = arith.constant 1 : i32
      %sub3A_154 = arith.subi %sub3A, %rem3A_153 : i32
      %dma_wait3A_155 = arith.constant 0 : i32
      %dma_wait3A_156 = arith.constant 0 : i32
      %dma_wait3A_157 = arith.constant 0 : i32
      %dma_wait3A_158 = arith.constant 0 : i32
      %dma_wait3A_159 = tpu.memref_slice %arg8[%dma_wait3A_156, %dma_wait3A_157, %dma_wait3A_158] : memref<4x128x64xf32, #tpu.memory_space<vmem>> -> memref<1x128x64xf32, #tpu.memory_space<vmem>>
      %dma_wait3A_160 = tpu.memref_squeeze %dma_wait3A_159 : memref<1x128x64xf32, #tpu.memory_space<vmem>> -> memref<128x64xf32, #tpu.memory_space<vmem>>
      %dma_wait3A_161 = arith.constant 0 : i32
      %dma_wait3A_162 = tpu.memref_slice %arg10[%rem3A_153, %dma_wait3A_155, %dma_wait3A_161] : memref<2x8x128xi32, #tpu.memory_space<vmem>> -> memref<1x1x128xi32, #tpu.memory_space<vmem>>
      %dma_wait3A_163 = tpu.memref_squeeze %dma_wait3A_162 : memref<1x1x128xi32, #tpu.memory_space<vmem>> -> memref<128xi32, #tpu.memory_space<vmem>>
      %dma_wait3A_164 = arith.constant 0 : i32
      %dma_wait3A_165 = arith.constant 0 : i32
      %dma_wait3A_166 = tpu.memref_slice %arg12[%dma_wait3A_164, %dma_wait3A_165] : memref<10112x64xf32, #tpu.memory_space<vmem_shared>> -> memref<10112x64xf32, #tpu.memory_space<vmem_shared>>
      tpu.wait_indirect_dma semaphore(%arg15 : memref<!tpu.dma_semaphore, #tpu.memory_space<semaphore_mem>>) src(%dma_wait3A_166 : memref<10112x64xf32, #tpu.memory_space<vmem_shared>>) dst(%dma_wait3A_160 : memref<128x64xf32, #tpu.memory_space<vmem>>)
      %ge3A = arith.constant 1 : i32
      %ge3A_167 = arith.cmpi sge, %scan3A_152, %ge3A : i32
      %convert_element_type3A_168 = arith.extui %ge3A_167 : i1 to i32
      %cond3A_169 = arith.constant 0 : i32
      %cond3A_170 = arith.cmpi ne, %convert_element_type3A_168, %cond3A_169 : i32
      scf.if %cond3A_170 {
        %dma_wait3A_559 = arith.constant 2 : i32
        %dma_wait3A_560 = arith.constant 0 : i32
        %dma_wait3A_561 = arith.constant 0 : i32
        %dma_wait3A_562 = arith.constant 0 : i32
        %dma_wait3A_563 = tpu.memref_slice %arg8[%dma_wait3A_559, %dma_wait3A_561, %dma_wait3A_562] : memref<4x128x64xf32, #tpu.memory_space<vmem>> -> memref<1x128x64xf32, #tpu.memory_space<vmem>>
        %dma_wait3A_564 = tpu.memref_squeeze %dma_wait3A_563 : memref<1x128x64xf32, #tpu.memory_space<vmem>> -> memref<128x64xf32, #tpu.memory_space<vmem>>
        %dma_wait3A_565 = arith.constant 0 : i32
        %dma_wait3A_566 = tpu.memref_slice %arg11[%rem3A_153, %dma_wait3A_560, %dma_wait3A_565] : memref<2x8x128xi32, #tpu.memory_space<vmem>> -> memref<1x1x128xi32, #tpu.memory_space<vmem>>
        %dma_wait3A_567 = tpu.memref_squeeze %dma_wait3A_566 : memref<1x1x128xi32, #tpu.memory_space<vmem>> -> memref<128xi32, #tpu.memory_space<vmem>>
        %dma_wait3A_568 = arith.constant 0 : i32
        %dma_wait3A_569 = arith.constant 0 : i32
        %dma_wait3A_570 = tpu.memref_slice %arg13[%dma_wait3A_568, %dma_wait3A_569] : memref<10112x64xf32, #tpu.memory_space<vmem_shared>> -> memref<10112x64xf32, #tpu.memory_space<vmem_shared>>
        tpu.wait_indirect_dma semaphore(%arg21 : memref<!tpu.dma_semaphore, #tpu.memory_space<semaphore_mem>>) src(%dma_wait3A_564 : memref<128x64xf32, #tpu.memory_space<vmem>>) dst(%dma_wait3A_570 : memref<10112x64xf32, #tpu.memory_space<vmem_shared>>)
      } else {
      }
      %eq3A_171 = arith.constant 0 : i32
      %eq3A_172 = arith.cmpi eq, %arg0, %eq3A_171 : i32
      %convert_element_type3A_173 = arith.extui %eq3A_172 : i1 to i32
      %cond3A_174 = arith.constant 0 : i32
      %cond3A_175 = arith.cmpi ne, %convert_element_type3A_173, %cond3A_174 : i32
      scf.if %cond3A_175 {
        %ge3A_559 = arith.constant 1 : i32
        %ge3A_560 = arith.cmpi sge, %scan3A_152, %ge3A_559 : i32
        %convert_element_type3A_561 = arith.extui %ge3A_560 : i1 to i32
        %cond3A_562 = arith.constant 0 : i32
        %cond3A_563 = arith.cmpi ne, %convert_element_type3A_561, %cond3A_562 : i32
        scf.if %cond3A_563 {
          %dma_wait3A_571 = arith.constant 0 : i32
          %dma_wait3A_572 = arith.constant 0 : i32
          %dma_wait3A_573 = tpu.memref_slice %arg11[%rem3A_153, %dma_wait3A_571, %dma_wait3A_572] : memref<2x8x128xi32, #tpu.memory_space<vmem>> -> memref<1x1x128xi32, #tpu.memory_space<vmem>>
          %dma_wait3A_574 = tpu.memref_squeeze %dma_wait3A_573 : memref<1x1x128xi32, #tpu.memory_space<vmem>> -> memref<128xi32, #tpu.memory_space<vmem>>
          %dma_wait3A_575 = arith.constant 0 : i32
          %dma_wait3A_576 = arith.constant 0 : i32
          %dma_wait3A_577 = tpu.memref_slice %arg14[%dma_wait3A_575, %dma_wait3A_576] : memref<10112x16xf32, #tpu.memory_space<vmem_shared>> -> memref<10112x16xf32, #tpu.memory_space<vmem_shared>>
          tpu.wait_indirect_dma semaphore(%arg23 : memref<!tpu.dma_semaphore, #tpu.memory_space<semaphore_mem>>) src(%arg9 : memref<128x16xf32, #tpu.memory_space<vmem>>) dst(%dma_wait3A_577 : memref<10112x16xf32, #tpu.memory_space<vmem_shared>>)
        } else {
        }
        %dma_start3A_564 = arith.constant 0 : i32
        %dma_start3A_565 = arith.constant 0 : i32
        %dma_start3A_566 = tpu.memref_slice %arg11[%rem3A_153, %dma_start3A_564, %dma_start3A_565] : memref<2x8x128xi32, #tpu.memory_space<vmem>> -> memref<1x1x128xi32, #tpu.memory_space<vmem>>
        %dma_start3A_567 = tpu.memref_squeeze %dma_start3A_566 : memref<1x1x128xi32, #tpu.memory_space<vmem>> -> memref<128xi32, #tpu.memory_space<vmem>>
        %dma_start3A_568 = arith.constant 0 : i32
        %dma_start3A_569 = arith.constant 0 : i32
        %dma_start3A_570 = tpu.memref_slice %arg14[%dma_start3A_568, %dma_start3A_569] : memref<10112x16xf32, #tpu.memory_space<vmem_shared>> -> memref<10112x16xf32, #tpu.memory_space<vmem_shared>>
        tpu.enqueue_indirect_dma source(%arg9 : memref<128x16xf32, #tpu.memory_space<vmem>>) target(%dma_start3A_570 : memref<10112x16xf32, #tpu.memory_space<vmem_shared>>) offsets(%dma_start3A_567 : memref<128xi32, #tpu.memory_space<vmem>>) semaphore(%arg23 : memref<!tpu.dma_semaphore, #tpu.memory_space<semaphore_mem>>) {add = true}
      } else {
      }
      %dma_start3A_176 = arith.constant 2 : i32
      %dma_start3A_177 = arith.constant 2 : i32
      %dma_start3A_178 = arith.constant 0 : i32
      %dma_start3A_179 = arith.constant 0 : i32
      %dma_start3A_180 = tpu.memref_slice %arg8[%dma_start3A_177, %dma_start3A_178, %dma_start3A_179] : memref<4x128x64xf32, #tpu.memory_space<vmem>> -> memref<1x128x64xf32, #tpu.memory_space<vmem>>
      %dma_start3A_181 = tpu.memref_squeeze %dma_start3A_180 : memref<1x128x64xf32, #tpu.memory_space<vmem>> -> memref<128x64xf32, #tpu.memory_space<vmem>>
      %dma_start3A_182 = arith.constant 0 : i32
      %dma_start3A_183 = tpu.memref_slice %arg10[%rem3A_153, %dma_start3A_176, %dma_start3A_182] : memref<2x8x128xi32, #tpu.memory_space<vmem>> -> memref<1x1x128xi32, #tpu.memory_space<vmem>>
      %dma_start3A_184 = tpu.memref_squeeze %dma_start3A_183 : memref<1x1x128xi32, #tpu.memory_space<vmem>> -> memref<128xi32, #tpu.memory_space<vmem>>
      %dma_start3A_185 = arith.constant 0 : i32
      %dma_start3A_186 = arith.constant 0 : i32
      %dma_start3A_187 = tpu.memref_slice %arg12[%dma_start3A_185, %dma_start3A_186] : memref<10112x64xf32, #tpu.memory_space<vmem_shared>> -> memref<10112x64xf32, #tpu.memory_space<vmem_shared>>
      tpu.enqueue_indirect_dma source(%dma_start3A_187 : memref<10112x64xf32, #tpu.memory_space<vmem_shared>>) target(%dma_start3A_181 : memref<128x64xf32, #tpu.memory_space<vmem>>) offsets(%dma_start3A_184 : memref<128xi32, #tpu.memory_space<vmem>>) semaphore(%arg17 : memref<!tpu.dma_semaphore, #tpu.memory_space<semaphore_mem>>)
      %dma_start3A_188 = arith.constant 0 : i32
      %dma_start3A_189 = arith.constant 0 : i32
      %dma_start3A_190 = arith.constant 0 : i32
      %dma_start3A_191 = arith.constant 0 : i32
      %dma_start3A_192 = tpu.memref_slice %arg8[%dma_start3A_188, %dma_start3A_190, %dma_start3A_191] : memref<4x128x64xf32, #tpu.memory_space<vmem>> -> memref<1x128x64xf32, #tpu.memory_space<vmem>>
      %dma_start3A_193 = tpu.memref_squeeze %dma_start3A_192 : memref<1x128x64xf32, #tpu.memory_space<vmem>> -> memref<128x64xf32, #tpu.memory_space<vmem>>
      %dma_start3A_194 = arith.constant 0 : i32
      %dma_start3A_195 = tpu.memref_slice %arg11[%rem3A_153, %dma_start3A_189, %dma_start3A_194] : memref<2x8x128xi32, #tpu.memory_space<vmem>> -> memref<1x1x128xi32, #tpu.memory_space<vmem>>
      %dma_start3A_196 = tpu.memref_squeeze %dma_start3A_195 : memref<1x1x128xi32, #tpu.memory_space<vmem>> -> memref<128xi32, #tpu.memory_space<vmem>>
      %dma_start3A_197 = arith.constant 0 : i32
      %dma_start3A_198 = arith.constant 0 : i32
      %dma_start3A_199 = tpu.memref_slice %arg13[%dma_start3A_197, %dma_start3A_198] : memref<10112x64xf32, #tpu.memory_space<vmem_shared>> -> memref<10112x64xf32, #tpu.memory_space<vmem_shared>>
      tpu.enqueue_indirect_dma source(%dma_start3A_193 : memref<128x64xf32, #tpu.memory_space<vmem>>) target(%dma_start3A_199 : memref<10112x64xf32, #tpu.memory_space<vmem_shared>>) offsets(%dma_start3A_196 : memref<128xi32, #tpu.memory_space<vmem>>) semaphore(%arg19 : memref<!tpu.dma_semaphore, #tpu.memory_space<semaphore_mem>>) {add = true}
      %dma_wait3A_200 = arith.constant 1 : i32
      %dma_wait3A_201 = arith.constant 1 : i32
      %dma_wait3A_202 = arith.constant 0 : i32
      %dma_wait3A_203 = arith.constant 0 : i32
      %dma_wait3A_204 = tpu.memref_slice %arg8[%dma_wait3A_201, %dma_wait3A_202, %dma_wait3A_203] : memref<4x128x64xf32, #tpu.memory_space<vmem>> -> memref<1x128x64xf32, #tpu.memory_space<vmem>>
      %dma_wait3A_205 = tpu.memref_squeeze %dma_wait3A_204 : memref<1x128x64xf32, #tpu.memory_space<vmem>> -> memref<128x64xf32, #tpu.memory_space<vmem>>
      %dma_wait3A_206 = arith.constant 0 : i32
      %dma_wait3A_207 = tpu.memref_slice %arg10[%rem3A_153, %dma_wait3A_200, %dma_wait3A_206] : memref<2x8x128xi32, #tpu.memory_space<vmem>> -> memref<1x1x128xi32, #tpu.memory_space<vmem>>
      %dma_wait3A_208 = tpu.memref_squeeze %dma_wait3A_207 : memref<1x1x128xi32, #tpu.memory_space<vmem>> -> memref<128xi32, #tpu.memory_space<vmem>>
      %dma_wait3A_209 = arith.constant 0 : i32
      %dma_wait3A_210 = arith.constant 0 : i32
      %dma_wait3A_211 = tpu.memref_slice %arg12[%dma_wait3A_209, %dma_wait3A_210] : memref<10112x64xf32, #tpu.memory_space<vmem_shared>> -> memref<10112x64xf32, #tpu.memory_space<vmem_shared>>
      tpu.wait_indirect_dma semaphore(%arg16 : memref<!tpu.dma_semaphore, #tpu.memory_space<semaphore_mem>>) src(%dma_wait3A_211 : memref<10112x64xf32, #tpu.memory_space<vmem_shared>>) dst(%dma_wait3A_205 : memref<128x64xf32, #tpu.memory_space<vmem>>)
      %ge3A_212 = arith.constant 1 : i32
      %ge3A_213 = arith.cmpi sge, %scan3A_152, %ge3A_212 : i32
      %convert_element_type3A_214 = arith.extui %ge3A_213 : i1 to i32
      %cond3A_215 = arith.constant 0 : i32
      %cond3A_216 = arith.cmpi ne, %convert_element_type3A_214, %cond3A_215 : i32
      scf.if %cond3A_216 {
        %dma_wait3A_559 = arith.constant 3 : i32
        %dma_wait3A_560 = arith.constant 1 : i32
        %dma_wait3A_561 = arith.constant 0 : i32
        %dma_wait3A_562 = arith.constant 0 : i32
        %dma_wait3A_563 = tpu.memref_slice %arg8[%dma_wait3A_559, %dma_wait3A_561, %dma_wait3A_562] : memref<4x128x64xf32, #tpu.memory_space<vmem>> -> memref<1x128x64xf32, #tpu.memory_space<vmem>>
        %dma_wait3A_564 = tpu.memref_squeeze %dma_wait3A_563 : memref<1x128x64xf32, #tpu.memory_space<vmem>> -> memref<128x64xf32, #tpu.memory_space<vmem>>
        %dma_wait3A_565 = arith.constant 0 : i32
        %dma_wait3A_566 = tpu.memref_slice %arg11[%rem3A_153, %dma_wait3A_560, %dma_wait3A_565] : memref<2x8x128xi32, #tpu.memory_space<vmem>> -> memref<1x1x128xi32, #tpu.memory_space<vmem>>
        %dma_wait3A_567 = tpu.memref_squeeze %dma_wait3A_566 : memref<1x1x128xi32, #tpu.memory_space<vmem>> -> memref<128xi32, #tpu.memory_space<vmem>>
        %dma_wait3A_568 = arith.constant 0 : i32
        %dma_wait3A_569 = arith.constant 0 : i32
        %dma_wait3A_570 = tpu.memref_slice %arg13[%dma_wait3A_568, %dma_wait3A_569] : memref<10112x64xf32, #tpu.memory_space<vmem_shared>> -> memref<10112x64xf32, #tpu.memory_space<vmem_shared>>
        tpu.wait_indirect_dma semaphore(%arg22 : memref<!tpu.dma_semaphore, #tpu.memory_space<semaphore_mem>>) src(%dma_wait3A_564 : memref<128x64xf32, #tpu.memory_space<vmem>>) dst(%dma_wait3A_570 : memref<10112x64xf32, #tpu.memory_space<vmem_shared>>)
      } else {
      }
      %eq3A_217 = arith.constant 0 : i32
      %eq3A_218 = arith.cmpi eq, %arg0, %eq3A_217 : i32
      %convert_element_type3A_219 = arith.extui %eq3A_218 : i1 to i32
      %cond3A_220 = arith.constant 0 : i32
      %cond3A_221 = arith.cmpi ne, %convert_element_type3A_219, %cond3A_220 : i32
      scf.if %cond3A_221 {
        %ge3A_559 = arith.constant 1 : i32
        %ge3A_560 = arith.cmpi sge, %scan3A_152, %ge3A_559 : i32
        %convert_element_type3A_561 = arith.extui %ge3A_560 : i1 to i32
        %cond3A_562 = arith.constant 0 : i32
        %cond3A_563 = arith.cmpi ne, %convert_element_type3A_561, %cond3A_562 : i32
        scf.if %cond3A_563 {
          %dma_wait3A_571 = arith.constant 1 : i32
          %dma_wait3A_572 = arith.constant 0 : i32
          %dma_wait3A_573 = tpu.memref_slice %arg11[%rem3A_153, %dma_wait3A_571, %dma_wait3A_572] : memref<2x8x128xi32, #tpu.memory_space<vmem>> -> memref<1x1x128xi32, #tpu.memory_space<vmem>>
          %dma_wait3A_574 = tpu.memref_squeeze %dma_wait3A_573 : memref<1x1x128xi32, #tpu.memory_space<vmem>> -> memref<128xi32, #tpu.memory_space<vmem>>
          %dma_wait3A_575 = arith.constant 0 : i32
          %dma_wait3A_576 = arith.constant 0 : i32
          %dma_wait3A_577 = tpu.memref_slice %arg14[%dma_wait3A_575, %dma_wait3A_576] : memref<10112x16xf32, #tpu.memory_space<vmem_shared>> -> memref<10112x16xf32, #tpu.memory_space<vmem_shared>>
          tpu.wait_indirect_dma semaphore(%arg24 : memref<!tpu.dma_semaphore, #tpu.memory_space<semaphore_mem>>) src(%arg9 : memref<128x16xf32, #tpu.memory_space<vmem>>) dst(%dma_wait3A_577 : memref<10112x16xf32, #tpu.memory_space<vmem_shared>>)
        } else {
        }
        %dma_start3A_564 = arith.constant 1 : i32
        %dma_start3A_565 = arith.constant 0 : i32
        %dma_start3A_566 = tpu.memref_slice %arg11[%rem3A_153, %dma_start3A_564, %dma_start3A_565] : memref<2x8x128xi32, #tpu.memory_space<vmem>> -> memref<1x1x128xi32, #tpu.memory_space<vmem>>
        %dma_start3A_567 = tpu.memref_squeeze %dma_start3A_566 : memref<1x1x128xi32, #tpu.memory_space<vmem>> -> memref<128xi32, #tpu.memory_space<vmem>>
        %dma_start3A_568 = arith.constant 0 : i32
        %dma_start3A_569 = arith.constant 0 : i32
        %dma_start3A_570 = tpu.memref_slice %arg14[%dma_start3A_568, %dma_start3A_569] : memref<10112x16xf32, #tpu.memory_space<vmem_shared>> -> memref<10112x16xf32, #tpu.memory_space<vmem_shared>>
        tpu.enqueue_indirect_dma source(%arg9 : memref<128x16xf32, #tpu.memory_space<vmem>>) target(%dma_start3A_570 : memref<10112x16xf32, #tpu.memory_space<vmem_shared>>) offsets(%dma_start3A_567 : memref<128xi32, #tpu.memory_space<vmem>>) semaphore(%arg24 : memref<!tpu.dma_semaphore, #tpu.memory_space<semaphore_mem>>) {add = true}
      } else {
      }
      %dma_start3A_222 = arith.constant 3 : i32
      %dma_start3A_223 = arith.constant 3 : i32
      %dma_start3A_224 = arith.constant 0 : i32
      %dma_start3A_225 = arith.constant 0 : i32
      %dma_start3A_226 = tpu.memref_slice %arg8[%dma_start3A_223, %dma_start3A_224, %dma_start3A_225] : memref<4x128x64xf32, #tpu.memory_space<vmem>> -> memref<1x128x64xf32, #tpu.memory_space<vmem>>
      %dma_start3A_227 = tpu.memref_squeeze %dma_start3A_226 : memref<1x128x64xf32, #tpu.memory_space<vmem>> -> memref<128x64xf32, #tpu.memory_space<vmem>>
      %dma_start3A_228 = arith.constant 0 : i32
      %dma_start3A_229 = tpu.memref_slice %arg10[%rem3A_153, %dma_start3A_222, %dma_start3A_228] : memref<2x8x128xi32, #tpu.memory_space<vmem>> -> memref<1x1x128xi32, #tpu.memory_space<vmem>>
      %dma_start3A_230 = tpu.memref_squeeze %dma_start3A_229 : memref<1x1x128xi32, #tpu.memory_space<vmem>> -> memref<128xi32, #tpu.memory_space<vmem>>
      %dma_start3A_231 = arith.constant 0 : i32
      %dma_start3A_232 = arith.constant 0 : i32
      %dma_start3A_233 = tpu.memref_slice %arg12[%dma_start3A_231, %dma_start3A_232] : memref<10112x64xf32, #tpu.memory_space<vmem_shared>> -> memref<10112x64xf32, #tpu.memory_space<vmem_shared>>
      tpu.enqueue_indirect_dma source(%dma_start3A_233 : memref<10112x64xf32, #tpu.memory_space<vmem_shared>>) target(%dma_start3A_227 : memref<128x64xf32, #tpu.memory_space<vmem>>) offsets(%dma_start3A_230 : memref<128xi32, #tpu.memory_space<vmem>>) semaphore(%arg18 : memref<!tpu.dma_semaphore, #tpu.memory_space<semaphore_mem>>)
      %dma_start3A_234 = arith.constant 1 : i32
      %dma_start3A_235 = arith.constant 1 : i32
      %dma_start3A_236 = arith.constant 0 : i32
      %dma_start3A_237 = arith.constant 0 : i32
      %dma_start3A_238 = tpu.memref_slice %arg8[%dma_start3A_234, %dma_start3A_236, %dma_start3A_237] : memref<4x128x64xf32, #tpu.memory_space<vmem>> -> memref<1x128x64xf32, #tpu.memory_space<vmem>>
      %dma_start3A_239 = tpu.memref_squeeze %dma_start3A_238 : memref<1x128x64xf32, #tpu.memory_space<vmem>> -> memref<128x64xf32, #tpu.memory_space<vmem>>
      %dma_start3A_240 = arith.constant 0 : i32
      %dma_start3A_241 = tpu.memref_slice %arg11[%rem3A_153, %dma_start3A_235, %dma_start3A_240] : memref<2x8x128xi32, #tpu.memory_space<vmem>> -> memref<1x1x128xi32, #tpu.memory_space<vmem>>
      %dma_start3A_242 = tpu.memref_squeeze %dma_start3A_241 : memref<1x1x128xi32, #tpu.memory_space<vmem>> -> memref<128xi32, #tpu.memory_space<vmem>>
      %dma_start3A_243 = arith.constant 0 : i32
      %dma_start3A_244 = arith.constant 0 : i32
      %dma_start3A_245 = tpu.memref_slice %arg13[%dma_start3A_243, %dma_start3A_244] : memref<10112x64xf32, #tpu.memory_space<vmem_shared>> -> memref<10112x64xf32, #tpu.memory_space<vmem_shared>>
      tpu.enqueue_indirect_dma source(%dma_start3A_239 : memref<128x64xf32, #tpu.memory_space<vmem>>) target(%dma_start3A_245 : memref<10112x64xf32, #tpu.memory_space<vmem_shared>>) offsets(%dma_start3A_242 : memref<128xi32, #tpu.memory_space<vmem>>) semaphore(%arg20 : memref<!tpu.dma_semaphore, #tpu.memory_space<semaphore_mem>>) {add = true}
      %dma_wait3A_246 = arith.constant 2 : i32
      %dma_wait3A_247 = arith.constant 2 : i32
      %dma_wait3A_248 = arith.constant 0 : i32
      %dma_wait3A_249 = arith.constant 0 : i32
      %dma_wait3A_250 = tpu.memref_slice %arg8[%dma_wait3A_247, %dma_wait3A_248, %dma_wait3A_249] : memref<4x128x64xf32, #tpu.memory_space<vmem>> -> memref<1x128x64xf32, #tpu.memory_space<vmem>>
      %dma_wait3A_251 = tpu.memref_squeeze %dma_wait3A_250 : memref<1x128x64xf32, #tpu.memory_space<vmem>> -> memref<128x64xf32, #tpu.memory_space<vmem>>
      %dma_wait3A_252 = arith.constant 0 : i32
      %dma_wait3A_253 = tpu.memref_slice %arg10[%rem3A_153, %dma_wait3A_246, %dma_wait3A_252] : memref<2x8x128xi32, #tpu.memory_space<vmem>> -> memref<1x1x128xi32, #tpu.memory_space<vmem>>
      %dma_wait3A_254 = tpu.memref_squeeze %dma_wait3A_253 : memref<1x1x128xi32, #tpu.memory_space<vmem>> -> memref<128xi32, #tpu.memory_space<vmem>>
      %dma_wait3A_255 = arith.constant 0 : i32
      %dma_wait3A_256 = arith.constant 0 : i32
      %dma_wait3A_257 = tpu.memref_slice %arg12[%dma_wait3A_255, %dma_wait3A_256] : memref<10112x64xf32, #tpu.memory_space<vmem_shared>> -> memref<10112x64xf32, #tpu.memory_space<vmem_shared>>
      tpu.wait_indirect_dma semaphore(%arg17 : memref<!tpu.dma_semaphore, #tpu.memory_space<semaphore_mem>>) src(%dma_wait3A_257 : memref<10112x64xf32, #tpu.memory_space<vmem_shared>>) dst(%dma_wait3A_251 : memref<128x64xf32, #tpu.memory_space<vmem>>)
      %dma_wait3A_258 = arith.constant 0 : i32
      %dma_wait3A_259 = arith.constant 2 : i32
      %dma_wait3A_260 = arith.constant 0 : i32
      %dma_wait3A_261 = arith.constant 0 : i32
      %dma_wait3A_262 = tpu.memref_slice %arg8[%dma_wait3A_258, %dma_wait3A_260, %dma_wait3A_261] : memref<4x128x64xf32, #tpu.memory_space<vmem>> -> memref<1x128x64xf32, #tpu.memory_space<vmem>>
      %dma_wait3A_263 = tpu.memref_squeeze %dma_wait3A_262 : memref<1x128x64xf32, #tpu.memory_space<vmem>> -> memref<128x64xf32, #tpu.memory_space<vmem>>
      %dma_wait3A_264 = arith.constant 0 : i32
      %dma_wait3A_265 = tpu.memref_slice %arg11[%rem3A_153, %dma_wait3A_259, %dma_wait3A_264] : memref<2x8x128xi32, #tpu.memory_space<vmem>> -> memref<1x1x128xi32, #tpu.memory_space<vmem>>
      %dma_wait3A_266 = tpu.memref_squeeze %dma_wait3A_265 : memref<1x1x128xi32, #tpu.memory_space<vmem>> -> memref<128xi32, #tpu.memory_space<vmem>>
      %dma_wait3A_267 = arith.constant 0 : i32
      %dma_wait3A_268 = arith.constant 0 : i32
      %dma_wait3A_269 = tpu.memref_slice %arg13[%dma_wait3A_267, %dma_wait3A_268] : memref<10112x64xf32, #tpu.memory_space<vmem_shared>> -> memref<10112x64xf32, #tpu.memory_space<vmem_shared>>
      tpu.wait_indirect_dma semaphore(%arg19 : memref<!tpu.dma_semaphore, #tpu.memory_space<semaphore_mem>>) src(%dma_wait3A_263 : memref<128x64xf32, #tpu.memory_space<vmem>>) dst(%dma_wait3A_269 : memref<10112x64xf32, #tpu.memory_space<vmem_shared>>)
      %eq3A_270 = arith.constant 0 : i32
      %eq3A_271 = arith.cmpi eq, %arg0, %eq3A_270 : i32
      %convert_element_type3A_272 = arith.extui %eq3A_271 : i1 to i32
      %cond3A_273 = arith.constant 0 : i32
      %cond3A_274 = arith.cmpi ne, %convert_element_type3A_272, %cond3A_273 : i32
      scf.if %cond3A_274 {
        %dma_wait3A_559 = arith.constant 2 : i32
        %dma_wait3A_560 = arith.constant 0 : i32
        %dma_wait3A_561 = tpu.memref_slice %arg11[%rem3A_153, %dma_wait3A_559, %dma_wait3A_560] : memref<2x8x128xi32, #tpu.memory_space<vmem>> -> memref<1x1x128xi32, #tpu.memory_space<vmem>>
        %dma_wait3A_562 = tpu.memref_squeeze %dma_wait3A_561 : memref<1x1x128xi32, #tpu.memory_space<vmem>> -> memref<128xi32, #tpu.memory_space<vmem>>
        %dma_wait3A_563 = arith.constant 0 : i32
        %dma_wait3A_564 = arith.constant 0 : i32
        %dma_wait3A_565 = tpu.memref_slice %arg14[%dma_wait3A_563, %dma_wait3A_564] : memref<10112x16xf32, #tpu.memory_space<vmem_shared>> -> memref<10112x16xf32, #tpu.memory_space<vmem_shared>>
        tpu.wait_indirect_dma semaphore(%arg23 : memref<!tpu.dma_semaphore, #tpu.memory_space<semaphore_mem>>) src(%arg9 : memref<128x16xf32, #tpu.memory_space<vmem>>) dst(%dma_wait3A_565 : memref<10112x16xf32, #tpu.memory_space<vmem_shared>>)
        %dma_start3A_566 = arith.constant 2 : i32
        %dma_start3A_567 = arith.constant 0 : i32
        %dma_start3A_568 = tpu.memref_slice %arg11[%rem3A_153, %dma_start3A_566, %dma_start3A_567] : memref<2x8x128xi32, #tpu.memory_space<vmem>> -> memref<1x1x128xi32, #tpu.memory_space<vmem>>
        %dma_start3A_569 = tpu.memref_squeeze %dma_start3A_568 : memref<1x1x128xi32, #tpu.memory_space<vmem>> -> memref<128xi32, #tpu.memory_space<vmem>>
        %dma_start3A_570 = arith.constant 0 : i32
        %dma_start3A_571 = arith.constant 0 : i32
        %dma_start3A_572 = tpu.memref_slice %arg14[%dma_start3A_570, %dma_start3A_571] : memref<10112x16xf32, #tpu.memory_space<vmem_shared>> -> memref<10112x16xf32, #tpu.memory_space<vmem_shared>>
        tpu.enqueue_indirect_dma source(%arg9 : memref<128x16xf32, #tpu.memory_space<vmem>>) target(%dma_start3A_572 : memref<10112x16xf32, #tpu.memory_space<vmem_shared>>) offsets(%dma_start3A_569 : memref<128xi32, #tpu.memory_space<vmem>>) semaphore(%arg23 : memref<!tpu.dma_semaphore, #tpu.memory_space<semaphore_mem>>) {add = true}
      } else {
      }
      %lt3A = arith.constant 19 : i32
      %lt3A_275 = arith.cmpi slt, %scan3A_152, %lt3A : i32
      %convert_element_type3A_276 = arith.extui %lt3A_275 : i1 to i32
      %cond3A_277 = arith.constant 0 : i32
      %cond3A_278 = arith.cmpi ne, %convert_element_type3A_276, %cond3A_277 : i32
      scf.if %cond3A_278 {
        %add3A = arith.constant 1 : i32
        %add3A_559 = arith.addi %scan3A_152, %add3A : i32
        %mul3A_560 = arith.constant 8 : i32
        %mul3A_561 = arith.muli %add3A_559, %mul3A_560 : i32
        %mul3A_562 = arith.constant 8 : i32
        %mul3A_563 = arith.muli %add3A_559, %mul3A_562 : i32
        %dma_start3A_564 = arith.constant 0 : i32
        %dma_start3A_565 = arith.constant 0 : i32
        %dma_start3A_566 = tpu.memref_slice %arg10[%sub3A_154, %dma_start3A_564, %dma_start3A_565] : memref<2x8x128xi32, #tpu.memory_space<vmem>> -> memref<1x8x128xi32, #tpu.memory_space<vmem>>
        %dma_start3A_567 = tpu.memref_squeeze %dma_start3A_566 : memref<1x8x128xi32, #tpu.memory_space<vmem>> -> memref<8x128xi32, #tpu.memory_space<vmem>>
        %dma_start3A_568 = arith.constant 0 : i32
        %dma_start3A_569 = tpu.memref_slice %arg3[%arg1, %mul3A_561, %dma_start3A_568] : memref<16x160x128xi32, #tpu.memory_space<hbm>> -> memref<1x8x128xi32, #tpu.memory_space<hbm>>
        %dma_start3A_570 = tpu.memref_squeeze %dma_start3A_569 : memref<1x8x128xi32, #tpu.memory_space<hbm>> -> memref<8x128xi32, #tpu.memory_space<hbm>>
        %dma_start3A_571 = arith.constant 0 : i32
        %dma_start3A_572 = arith.constant 0 : i32
        %dma_start3A_573 = tpu.memref_slice %arg10[%sub3A_154, %dma_start3A_571, %dma_start3A_572] : memref<2x8x128xi32, #tpu.memory_space<vmem>> -> memref<1x8x128xi32, #tpu.memory_space<vmem>>
        %dma_start3A_574 = tpu.memref_squeeze %dma_start3A_573 : memref<1x8x128xi32, #tpu.memory_space<vmem>> -> memref<8x128xi32, #tpu.memory_space<vmem>>
        %dma_start3A_575 = arith.constant 0 : i32
        %dma_start3A_576 = tpu.memref_slice %arg3[%arg1, %mul3A_561, %dma_start3A_575] : memref<16x160x128xi32, #tpu.memory_space<hbm>> -> memref<1x8x128xi32, #tpu.memory_space<hbm>>
        %dma_start3A_577 = tpu.memref_squeeze %dma_start3A_576 : memref<1x8x128xi32, #tpu.memory_space<hbm>> -> memref<8x128xi32, #tpu.memory_space<hbm>>
        tpu.enqueue_dma source(%dma_start3A_577 : memref<8x128xi32, #tpu.memory_space<hbm>>) target(%dma_start3A_574 : memref<8x128xi32, #tpu.memory_space<vmem>>) target_semaphore(%arg25 : memref<!tpu.dma_semaphore, #tpu.memory_space<semaphore_mem>>)
        %dma_start3A_578 = arith.constant 0 : i32
        %dma_start3A_579 = arith.constant 0 : i32
        %dma_start3A_580 = tpu.memref_slice %arg11[%sub3A_154, %dma_start3A_578, %dma_start3A_579] : memref<2x8x128xi32, #tpu.memory_space<vmem>> -> memref<1x8x128xi32, #tpu.memory_space<vmem>>
        %dma_start3A_581 = tpu.memref_squeeze %dma_start3A_580 : memref<1x8x128xi32, #tpu.memory_space<vmem>> -> memref<8x128xi32, #tpu.memory_space<vmem>>
        %dma_start3A_582 = arith.constant 0 : i32
        %dma_start3A_583 = tpu.memref_slice %arg4[%arg1, %mul3A_563, %dma_start3A_582] : memref<16x160x128xi32, #tpu.memory_space<hbm>> -> memref<1x8x128xi32, #tpu.memory_space<hbm>>
        %dma_start3A_584 = tpu.memref_squeeze %dma_start3A_583 : memref<1x8x128xi32, #tpu.memory_space<hbm>> -> memref<8x128xi32, #tpu.memory_space<hbm>>
        %dma_start3A_585 = arith.constant 0 : i32
        %dma_start3A_586 = arith.constant 0 : i32
        %dma_start3A_587 = tpu.memref_slice %arg11[%sub3A_154, %dma_start3A_585, %dma_start3A_586] : memref<2x8x128xi32, #tpu.memory_space<vmem>> -> memref<1x8x128xi32, #tpu.memory_space<vmem>>
        %dma_start3A_588 = tpu.memref_squeeze %dma_start3A_587 : memref<1x8x128xi32, #tpu.memory_space<vmem>> -> memref<8x128xi32, #tpu.memory_space<vmem>>
        %dma_start3A_589 = arith.constant 0 : i32
        %dma_start3A_590 = tpu.memref_slice %arg4[%arg1, %mul3A_563, %dma_start3A_589] : memref<16x160x128xi32, #tpu.memory_space<hbm>> -> memref<1x8x128xi32, #tpu.memory_space<hbm>>
        %dma_start3A_591 = tpu.memref_squeeze %dma_start3A_590 : memref<1x8x128xi32, #tpu.memory_space<hbm>> -> memref<8x128xi32, #tpu.memory_space<hbm>>
        tpu.enqueue_dma source(%dma_start3A_591 : memref<8x128xi32, #tpu.memory_space<hbm>>) target(%dma_start3A_588 : memref<8x128xi32, #tpu.memory_space<vmem>>) target_semaphore(%arg26 : memref<!tpu.dma_semaphore, #tpu.memory_space<semaphore_mem>>)
      } else {
      }
      %dma_start3A_279 = arith.constant 4 : i32
      %dma_start3A_280 = arith.constant 0 : i32
      %dma_start3A_281 = arith.constant 0 : i32
      %dma_start3A_282 = arith.constant 0 : i32
      %dma_start3A_283 = tpu.memref_slice %arg8[%dma_start3A_280, %dma_start3A_281, %dma_start3A_282] : memref<4x128x64xf32, #tpu.memory_space<vmem>> -> memref<1x128x64xf32, #tpu.memory_space<vmem>>
      %dma_start3A_284 = tpu.memref_squeeze %dma_start3A_283 : memref<1x128x64xf32, #tpu.memory_space<vmem>> -> memref<128x64xf32, #tpu.memory_space<vmem>>
      %dma_start3A_285 = arith.constant 0 : i32
      %dma_start3A_286 = tpu.memref_slice %arg10[%rem3A_153, %dma_start3A_279, %dma_start3A_285] : memref<2x8x128xi32, #tpu.memory_space<vmem>> -> memref<1x1x128xi32, #tpu.memory_space<vmem>>
      %dma_start3A_287 = tpu.memref_squeeze %dma_start3A_286 : memref<1x1x128xi32, #tpu.memory_space<vmem>> -> memref<128xi32, #tpu.memory_space<vmem>>
      %dma_start3A_288 = arith.constant 0 : i32
      %dma_start3A_289 = arith.constant 0 : i32
      %dma_start3A_290 = tpu.memref_slice %arg12[%dma_start3A_288, %dma_start3A_289] : memref<10112x64xf32, #tpu.memory_space<vmem_shared>> -> memref<10112x64xf32, #tpu.memory_space<vmem_shared>>
      tpu.enqueue_indirect_dma source(%dma_start3A_290 : memref<10112x64xf32, #tpu.memory_space<vmem_shared>>) target(%dma_start3A_284 : memref<128x64xf32, #tpu.memory_space<vmem>>) offsets(%dma_start3A_287 : memref<128xi32, #tpu.memory_space<vmem>>) semaphore(%arg15 : memref<!tpu.dma_semaphore, #tpu.memory_space<semaphore_mem>>)
      %dma_start3A_291 = arith.constant 2 : i32
      %dma_start3A_292 = arith.constant 2 : i32
      %dma_start3A_293 = arith.constant 0 : i32
      %dma_start3A_294 = arith.constant 0 : i32
      %dma_start3A_295 = tpu.memref_slice %arg8[%dma_start3A_291, %dma_start3A_293, %dma_start3A_294] : memref<4x128x64xf32, #tpu.memory_space<vmem>> -> memref<1x128x64xf32, #tpu.memory_space<vmem>>
      %dma_start3A_296 = tpu.memref_squeeze %dma_start3A_295 : memref<1x128x64xf32, #tpu.memory_space<vmem>> -> memref<128x64xf32, #tpu.memory_space<vmem>>
      %dma_start3A_297 = arith.constant 0 : i32
      %dma_start3A_298 = tpu.memref_slice %arg11[%rem3A_153, %dma_start3A_292, %dma_start3A_297] : memref<2x8x128xi32, #tpu.memory_space<vmem>> -> memref<1x1x128xi32, #tpu.memory_space<vmem>>
      %dma_start3A_299 = tpu.memref_squeeze %dma_start3A_298 : memref<1x1x128xi32, #tpu.memory_space<vmem>> -> memref<128xi32, #tpu.memory_space<vmem>>
      %dma_start3A_300 = arith.constant 0 : i32
      %dma_start3A_301 = arith.constant 0 : i32
      %dma_start3A_302 = tpu.memref_slice %arg13[%dma_start3A_300, %dma_start3A_301] : memref<10112x64xf32, #tpu.memory_space<vmem_shared>> -> memref<10112x64xf32, #tpu.memory_space<vmem_shared>>
      tpu.enqueue_indirect_dma source(%dma_start3A_296 : memref<128x64xf32, #tpu.memory_space<vmem>>) target(%dma_start3A_302 : memref<10112x64xf32, #tpu.memory_space<vmem_shared>>) offsets(%dma_start3A_299 : memref<128xi32, #tpu.memory_space<vmem>>) semaphore(%arg21 : memref<!tpu.dma_semaphore, #tpu.memory_space<semaphore_mem>>) {add = true}
      %dma_wait3A_303 = arith.constant 3 : i32
      %dma_wait3A_304 = arith.constant 3 : i32
      %dma_wait3A_305 = arith.constant 0 : i32
      %dma_wait3A_306 = arith.constant 0 : i32
      %dma_wait3A_307 = tpu.memref_slice %arg8[%dma_wait3A_304, %dma_wait3A_305, %dma_wait3A_306] : memref<4x128x64xf32, #tpu.memory_space<vmem>> -> memref<1x128x64xf32, #tpu.memory_space<vmem>>
      %dma_wait3A_308 = tpu.memref_squeeze %dma_wait3A_307 : memref<1x128x64xf32, #tpu.memory_space<vmem>> -> memref<128x64xf32, #tpu.memory_space<vmem>>
      %dma_wait3A_309 = arith.constant 0 : i32
      %dma_wait3A_310 = tpu.memref_slice %arg10[%rem3A_153, %dma_wait3A_303, %dma_wait3A_309] : memref<2x8x128xi32, #tpu.memory_space<vmem>> -> memref<1x1x128xi32, #tpu.memory_space<vmem>>
      %dma_wait3A_311 = tpu.memref_squeeze %dma_wait3A_310 : memref<1x1x128xi32, #tpu.memory_space<vmem>> -> memref<128xi32, #tpu.memory_space<vmem>>
      %dma_wait3A_312 = arith.constant 0 : i32
      %dma_wait3A_313 = arith.constant 0 : i32
      %dma_wait3A_314 = tpu.memref_slice %arg12[%dma_wait3A_312, %dma_wait3A_313] : memref<10112x64xf32, #tpu.memory_space<vmem_shared>> -> memref<10112x64xf32, #tpu.memory_space<vmem_shared>>
      tpu.wait_indirect_dma semaphore(%arg18 : memref<!tpu.dma_semaphore, #tpu.memory_space<semaphore_mem>>) src(%dma_wait3A_314 : memref<10112x64xf32, #tpu.memory_space<vmem_shared>>) dst(%dma_wait3A_308 : memref<128x64xf32, #tpu.memory_space<vmem>>)
      %dma_wait3A_315 = arith.constant 1 : i32
      %dma_wait3A_316 = arith.constant 3 : i32
      %dma_wait3A_317 = arith.constant 0 : i32
      %dma_wait3A_318 = arith.constant 0 : i32
      %dma_wait3A_319 = tpu.memref_slice %arg8[%dma_wait3A_315, %dma_wait3A_317, %dma_wait3A_318] : memref<4x128x64xf32, #tpu.memory_space<vmem>> -> memref<1x128x64xf32, #tpu.memory_space<vmem>>
      %dma_wait3A_320 = tpu.memref_squeeze %dma_wait3A_319 : memref<1x128x64xf32, #tpu.memory_space<vmem>> -> memref<128x64xf32, #tpu.memory_space<vmem>>
      %dma_wait3A_321 = arith.constant 0 : i32
      %dma_wait3A_322 = tpu.memref_slice %arg11[%rem3A_153, %dma_wait3A_316, %dma_wait3A_321] : memref<2x8x128xi32, #tpu.memory_space<vmem>> -> memref<1x1x128xi32, #tpu.memory_space<vmem>>
      %dma_wait3A_323 = tpu.memref_squeeze %dma_wait3A_322 : memref<1x1x128xi32, #tpu.memory_space<vmem>> -> memref<128xi32, #tpu.memory_space<vmem>>
      %dma_wait3A_324 = arith.constant 0 : i32
      %dma_wait3A_325 = arith.constant 0 : i32
      %dma_wait3A_326 = tpu.memref_slice %arg13[%dma_wait3A_324, %dma_wait3A_325] : memref<10112x64xf32, #tpu.memory_space<vmem_shared>> -> memref<10112x64xf32, #tpu.memory_space<vmem_shared>>
      tpu.wait_indirect_dma semaphore(%arg20 : memref<!tpu.dma_semaphore, #tpu.memory_space<semaphore_mem>>) src(%dma_wait3A_320 : memref<128x64xf32, #tpu.memory_space<vmem>>) dst(%dma_wait3A_326 : memref<10112x64xf32, #tpu.memory_space<vmem_shared>>)
      %eq3A_327 = arith.constant 0 : i32
      %eq3A_328 = arith.cmpi eq, %arg0, %eq3A_327 : i32
      %convert_element_type3A_329 = arith.extui %eq3A_328 : i1 to i32
      %cond3A_330 = arith.constant 0 : i32
      %cond3A_331 = arith.cmpi ne, %convert_element_type3A_329, %cond3A_330 : i32
      scf.if %cond3A_331 {
        %dma_wait3A_559 = arith.constant 3 : i32
        %dma_wait3A_560 = arith.constant 0 : i32
        %dma_wait3A_561 = tpu.memref_slice %arg11[%rem3A_153, %dma_wait3A_559, %dma_wait3A_560] : memref<2x8x128xi32, #tpu.memory_space<vmem>> -> memref<1x1x128xi32, #tpu.memory_space<vmem>>
        %dma_wait3A_562 = tpu.memref_squeeze %dma_wait3A_561 : memref<1x1x128xi32, #tpu.memory_space<vmem>> -> memref<128xi32, #tpu.memory_space<vmem>>
        %dma_wait3A_563 = arith.constant 0 : i32
        %dma_wait3A_564 = arith.constant 0 : i32
        %dma_wait3A_565 = tpu.memref_slice %arg14[%dma_wait3A_563, %dma_wait3A_564] : memref<10112x16xf32, #tpu.memory_space<vmem_shared>> -> memref<10112x16xf32, #tpu.memory_space<vmem_shared>>
        tpu.wait_indirect_dma semaphore(%arg24 : memref<!tpu.dma_semaphore, #tpu.memory_space<semaphore_mem>>) src(%arg9 : memref<128x16xf32, #tpu.memory_space<vmem>>) dst(%dma_wait3A_565 : memref<10112x16xf32, #tpu.memory_space<vmem_shared>>)
        %dma_start3A_566 = arith.constant 3 : i32
        %dma_start3A_567 = arith.constant 0 : i32
        %dma_start3A_568 = tpu.memref_slice %arg11[%rem3A_153, %dma_start3A_566, %dma_start3A_567] : memref<2x8x128xi32, #tpu.memory_space<vmem>> -> memref<1x1x128xi32, #tpu.memory_space<vmem>>
        %dma_start3A_569 = tpu.memref_squeeze %dma_start3A_568 : memref<1x1x128xi32, #tpu.memory_space<vmem>> -> memref<128xi32, #tpu.memory_space<vmem>>
        %dma_start3A_570 = arith.constant 0 : i32
        %dma_start3A_571 = arith.constant 0 : i32
        %dma_start3A_572 = tpu.memref_slice %arg14[%dma_start3A_570, %dma_start3A_571] : memref<10112x16xf32, #tpu.memory_space<vmem_shared>> -> memref<10112x16xf32, #tpu.memory_space<vmem_shared>>
        tpu.enqueue_indirect_dma source(%arg9 : memref<128x16xf32, #tpu.memory_space<vmem>>) target(%dma_start3A_572 : memref<10112x16xf32, #tpu.memory_space<vmem_shared>>) offsets(%dma_start3A_569 : memref<128xi32, #tpu.memory_space<vmem>>) semaphore(%arg24 : memref<!tpu.dma_semaphore, #tpu.memory_space<semaphore_mem>>) {add = true}
      } else {
      }
      %dma_start3A_332 = arith.constant 5 : i32
      %dma_start3A_333 = arith.constant 1 : i32
      %dma_start3A_334 = arith.constant 0 : i32
      %dma_start3A_335 = arith.constant 0 : i32
      %dma_start3A_336 = tpu.memref_slice %arg8[%dma_start3A_333, %dma_start3A_334, %dma_start3A_335] : memref<4x128x64xf32, #tpu.memory_space<vmem>> -> memref<1x128x64xf32, #tpu.memory_space<vmem>>
      %dma_start3A_337 = tpu.memref_squeeze %dma_start3A_336 : memref<1x128x64xf32, #tpu.memory_space<vmem>> -> memref<128x64xf32, #tpu.memory_space<vmem>>
      %dma_start3A_338 = arith.constant 0 : i32
      %dma_start3A_339 = tpu.memref_slice %arg10[%rem3A_153, %dma_start3A_332, %dma_start3A_338] : memref<2x8x128xi32, #tpu.memory_space<vmem>> -> memref<1x1x128xi32, #tpu.memory_space<vmem>>
      %dma_start3A_340 = tpu.memref_squeeze %dma_start3A_339 : memref<1x1x128xi32, #tpu.memory_space<vmem>> -> memref<128xi32, #tpu.memory_space<vmem>>
      %dma_start3A_341 = arith.constant 0 : i32
      %dma_start3A_342 = arith.constant 0 : i32
      %dma_start3A_343 = tpu.memref_slice %arg12[%dma_start3A_341, %dma_start3A_342] : memref<10112x64xf32, #tpu.memory_space<vmem_shared>> -> memref<10112x64xf32, #tpu.memory_space<vmem_shared>>
      tpu.enqueue_indirect_dma source(%dma_start3A_343 : memref<10112x64xf32, #tpu.memory_space<vmem_shared>>) target(%dma_start3A_337 : memref<128x64xf32, #tpu.memory_space<vmem>>) offsets(%dma_start3A_340 : memref<128xi32, #tpu.memory_space<vmem>>) semaphore(%arg16 : memref<!tpu.dma_semaphore, #tpu.memory_space<semaphore_mem>>)
      %dma_start3A_344 = arith.constant 3 : i32
      %dma_start3A_345 = arith.constant 3 : i32
      %dma_start3A_346 = arith.constant 0 : i32
      %dma_start3A_347 = arith.constant 0 : i32
      %dma_start3A_348 = tpu.memref_slice %arg8[%dma_start3A_344, %dma_start3A_346, %dma_start3A_347] : memref<4x128x64xf32, #tpu.memory_space<vmem>> -> memref<1x128x64xf32, #tpu.memory_space<vmem>>
      %dma_start3A_349 = tpu.memref_squeeze %dma_start3A_348 : memref<1x128x64xf32, #tpu.memory_space<vmem>> -> memref<128x64xf32, #tpu.memory_space<vmem>>
      %dma_start3A_350 = arith.constant 0 : i32
      %dma_start3A_351 = tpu.memref_slice %arg11[%rem3A_153, %dma_start3A_345, %dma_start3A_350] : memref<2x8x128xi32, #tpu.memory_space<vmem>> -> memref<1x1x128xi32, #tpu.memory_space<vmem>>
      %dma_start3A_352 = tpu.memref_squeeze %dma_start3A_351 : memref<1x1x128xi32, #tpu.memory_space<vmem>> -> memref<128xi32, #tpu.memory_space<vmem>>
      %dma_start3A_353 = arith.constant 0 : i32
      %dma_start3A_354 = arith.constant 0 : i32
      %dma_start3A_355 = tpu.memref_slice %arg13[%dma_start3A_353, %dma_start3A_354] : memref<10112x64xf32, #tpu.memory_space<vmem_shared>> -> memref<10112x64xf32, #tpu.memory_space<vmem_shared>>
      tpu.enqueue_indirect_dma source(%dma_start3A_349 : memref<128x64xf32, #tpu.memory_space<vmem>>) target(%dma_start3A_355 : memref<10112x64xf32, #tpu.memory_space<vmem_shared>>) offsets(%dma_start3A_352 : memref<128xi32, #tpu.memory_space<vmem>>) semaphore(%arg22 : memref<!tpu.dma_semaphore, #tpu.memory_space<semaphore_mem>>) {add = true}
      %dma_wait3A_356 = arith.constant 4 : i32
      %dma_wait3A_357 = arith.constant 0 : i32
      %dma_wait3A_358 = arith.constant 0 : i32
      %dma_wait3A_359 = arith.constant 0 : i32
      %dma_wait3A_360 = tpu.memref_slice %arg8[%dma_wait3A_357, %dma_wait3A_358, %dma_wait3A_359] : memref<4x128x64xf32, #tpu.memory_space<vmem>> -> memref<1x128x64xf32, #tpu.memory_space<vmem>>
      %dma_wait3A_361 = tpu.memref_squeeze %dma_wait3A_360 : memref<1x128x64xf32, #tpu.memory_space<vmem>> -> memref<128x64xf32, #tpu.memory_space<vmem>>
      %dma_wait3A_362 = arith.constant 0 : i32
      %dma_wait3A_363 = tpu.memref_slice %arg10[%rem3A_153, %dma_wait3A_356, %dma_wait3A_362] : memref<2x8x128xi32, #tpu.memory_space<vmem>> -> memref<1x1x128xi32, #tpu.memory_space<vmem>>
      %dma_wait3A_364 = tpu.memref_squeeze %dma_wait3A_363 : memref<1x1x128xi32, #tpu.memory_space<vmem>> -> memref<128xi32, #tpu.memory_space<vmem>>
      %dma_wait3A_365 = arith.constant 0 : i32
      %dma_wait3A_366 = arith.constant 0 : i32
      %dma_wait3A_367 = tpu.memref_slice %arg12[%dma_wait3A_365, %dma_wait3A_366] : memref<10112x64xf32, #tpu.memory_space<vmem_shared>> -> memref<10112x64xf32, #tpu.memory_space<vmem_shared>>
      tpu.wait_indirect_dma semaphore(%arg15 : memref<!tpu.dma_semaphore, #tpu.memory_space<semaphore_mem>>) src(%dma_wait3A_367 : memref<10112x64xf32, #tpu.memory_space<vmem_shared>>) dst(%dma_wait3A_361 : memref<128x64xf32, #tpu.memory_space<vmem>>)
      %dma_wait3A_368 = arith.constant 2 : i32
      %dma_wait3A_369 = arith.constant 4 : i32
      %dma_wait3A_370 = arith.constant 0 : i32
      %dma_wait3A_371 = arith.constant 0 : i32
      %dma_wait3A_372 = tpu.memref_slice %arg8[%dma_wait3A_368, %dma_wait3A_370, %dma_wait3A_371] : memref<4x128x64xf32, #tpu.memory_space<vmem>> -> memref<1x128x64xf32, #tpu.memory_space<vmem>>
      %dma_wait3A_373 = tpu.memref_squeeze %dma_wait3A_372 : memref<1x128x64xf32, #tpu.memory_space<vmem>> -> memref<128x64xf32, #tpu.memory_space<vmem>>
      %dma_wait3A_374 = arith.constant 0 : i32
      %dma_wait3A_375 = tpu.memref_slice %arg11[%rem3A_153, %dma_wait3A_369, %dma_wait3A_374] : memref<2x8x128xi32, #tpu.memory_space<vmem>> -> memref<1x1x128xi32, #tpu.memory_space<vmem>>
      %dma_wait3A_376 = tpu.memref_squeeze %dma_wait3A_375 : memref<1x1x128xi32, #tpu.memory_space<vmem>> -> memref<128xi32, #tpu.memory_space<vmem>>
      %dma_wait3A_377 = arith.constant 0 : i32
      %dma_wait3A_378 = arith.constant 0 : i32
      %dma_wait3A_379 = tpu.memref_slice %arg13[%dma_wait3A_377, %dma_wait3A_378] : memref<10112x64xf32, #tpu.memory_space<vmem_shared>> -> memref<10112x64xf32, #tpu.memory_space<vmem_shared>>
      tpu.wait_indirect_dma semaphore(%arg21 : memref<!tpu.dma_semaphore, #tpu.memory_space<semaphore_mem>>) src(%dma_wait3A_373 : memref<128x64xf32, #tpu.memory_space<vmem>>) dst(%dma_wait3A_379 : memref<10112x64xf32, #tpu.memory_space<vmem_shared>>)
      %eq3A_380 = arith.constant 0 : i32
      %eq3A_381 = arith.cmpi eq, %arg0, %eq3A_380 : i32
      %convert_element_type3A_382 = arith.extui %eq3A_381 : i1 to i32
      %cond3A_383 = arith.constant 0 : i32
      %cond3A_384 = arith.cmpi ne, %convert_element_type3A_382, %cond3A_383 : i32
      scf.if %cond3A_384 {
        %dma_wait3A_559 = arith.constant 4 : i32
        %dma_wait3A_560 = arith.constant 0 : i32
        %dma_wait3A_561 = tpu.memref_slice %arg11[%rem3A_153, %dma_wait3A_559, %dma_wait3A_560] : memref<2x8x128xi32, #tpu.memory_space<vmem>> -> memref<1x1x128xi32, #tpu.memory_space<vmem>>
        %dma_wait3A_562 = tpu.memref_squeeze %dma_wait3A_561 : memref<1x1x128xi32, #tpu.memory_space<vmem>> -> memref<128xi32, #tpu.memory_space<vmem>>
        %dma_wait3A_563 = arith.constant 0 : i32
        %dma_wait3A_564 = arith.constant 0 : i32
        %dma_wait3A_565 = tpu.memref_slice %arg14[%dma_wait3A_563, %dma_wait3A_564] : memref<10112x16xf32, #tpu.memory_space<vmem_shared>> -> memref<10112x16xf32, #tpu.memory_space<vmem_shared>>
        tpu.wait_indirect_dma semaphore(%arg23 : memref<!tpu.dma_semaphore, #tpu.memory_space<semaphore_mem>>) src(%arg9 : memref<128x16xf32, #tpu.memory_space<vmem>>) dst(%dma_wait3A_565 : memref<10112x16xf32, #tpu.memory_space<vmem_shared>>)
        %dma_start3A_566 = arith.constant 4 : i32
        %dma_start3A_567 = arith.constant 0 : i32
        %dma_start3A_568 = tpu.memref_slice %arg11[%rem3A_153, %dma_start3A_566, %dma_start3A_567] : memref<2x8x128xi32, #tpu.memory_space<vmem>> -> memref<1x1x128xi32, #tpu.memory_space<vmem>>
        %dma_start3A_569 = tpu.memref_squeeze %dma_start3A_568 : memref<1x1x128xi32, #tpu.memory_space<vmem>> -> memref<128xi32, #tpu.memory_space<vmem>>
        %dma_start3A_570 = arith.constant 0 : i32
        %dma_start3A_571 = arith.constant 0 : i32
        %dma_start3A_572 = tpu.memref_slice %arg14[%dma_start3A_570, %dma_start3A_571] : memref<10112x16xf32, #tpu.memory_space<vmem_shared>> -> memref<10112x16xf32, #tpu.memory_space<vmem_shared>>
        tpu.enqueue_indirect_dma source(%arg9 : memref<128x16xf32, #tpu.memory_space<vmem>>) target(%dma_start3A_572 : memref<10112x16xf32, #tpu.memory_space<vmem_shared>>) offsets(%dma_start3A_569 : memref<128xi32, #tpu.memory_space<vmem>>) semaphore(%arg23 : memref<!tpu.dma_semaphore, #tpu.memory_space<semaphore_mem>>) {add = true}
      } else {
      }
      %dma_start3A_385 = arith.constant 6 : i32
      %dma_start3A_386 = arith.constant 2 : i32
      %dma_start3A_387 = arith.constant 0 : i32
      %dma_start3A_388 = arith.constant 0 : i32
      %dma_start3A_389 = tpu.memref_slice %arg8[%dma_start3A_386, %dma_start3A_387, %dma_start3A_388] : memref<4x128x64xf32, #tpu.memory_space<vmem>> -> memref<1x128x64xf32, #tpu.memory_space<vmem>>
      %dma_start3A_390 = tpu.memref_squeeze %dma_start3A_389 : memref<1x128x64xf32, #tpu.memory_space<vmem>> -> memref<128x64xf32, #tpu.memory_space<vmem>>
      %dma_start3A_391 = arith.constant 0 : i32
      %dma_start3A_392 = tpu.memref_slice %arg10[%rem3A_153, %dma_start3A_385, %dma_start3A_391] : memref<2x8x128xi32, #tpu.memory_space<vmem>> -> memref<1x1x128xi32, #tpu.memory_space<vmem>>
      %dma_start3A_393 = tpu.memref_squeeze %dma_start3A_392 : memref<1x1x128xi32, #tpu.memory_space<vmem>> -> memref<128xi32, #tpu.memory_space<vmem>>
      %dma_start3A_394 = arith.constant 0 : i32
      %dma_start3A_395 = arith.constant 0 : i32
      %dma_start3A_396 = tpu.memref_slice %arg12[%dma_start3A_394, %dma_start3A_395] : memref<10112x64xf32, #tpu.memory_space<vmem_shared>> -> memref<10112x64xf32, #tpu.memory_space<vmem_shared>>
      tpu.enqueue_indirect_dma source(%dma_start3A_396 : memref<10112x64xf32, #tpu.memory_space<vmem_shared>>) target(%dma_start3A_390 : memref<128x64xf32, #tpu.memory_space<vmem>>) offsets(%dma_start3A_393 : memref<128xi32, #tpu.memory_space<vmem>>) semaphore(%arg17 : memref<!tpu.dma_semaphore, #tpu.memory_space<semaphore_mem>>)
      %dma_start3A_397 = arith.constant 0 : i32
      %dma_start3A_398 = arith.constant 4 : i32
      %dma_start3A_399 = arith.constant 0 : i32
      %dma_start3A_400 = arith.constant 0 : i32
      %dma_start3A_401 = tpu.memref_slice %arg8[%dma_start3A_397, %dma_start3A_399, %dma_start3A_400] : memref<4x128x64xf32, #tpu.memory_space<vmem>> -> memref<1x128x64xf32, #tpu.memory_space<vmem>>
      %dma_start3A_402 = tpu.memref_squeeze %dma_start3A_401 : memref<1x128x64xf32, #tpu.memory_space<vmem>> -> memref<128x64xf32, #tpu.memory_space<vmem>>
      %dma_start3A_403 = arith.constant 0 : i32
      %dma_start3A_404 = tpu.memref_slice %arg11[%rem3A_153, %dma_start3A_398, %dma_start3A_403] : memref<2x8x128xi32, #tpu.memory_space<vmem>> -> memref<1x1x128xi32, #tpu.memory_space<vmem>>
      %dma_start3A_405 = tpu.memref_squeeze %dma_start3A_404 : memref<1x1x128xi32, #tpu.memory_space<vmem>> -> memref<128xi32, #tpu.memory_space<vmem>>
      %dma_start3A_406 = arith.constant 0 : i32
      %dma_start3A_407 = arith.constant 0 : i32
      %dma_start3A_408 = tpu.memref_slice %arg13[%dma_start3A_406, %dma_start3A_407] : memref<10112x64xf32, #tpu.memory_space<vmem_shared>> -> memref<10112x64xf32, #tpu.memory_space<vmem_shared>>
      tpu.enqueue_indirect_dma source(%dma_start3A_402 : memref<128x64xf32, #tpu.memory_space<vmem>>) target(%dma_start3A_408 : memref<10112x64xf32, #tpu.memory_space<vmem_shared>>) offsets(%dma_start3A_405 : memref<128xi32, #tpu.memory_space<vmem>>) semaphore(%arg19 : memref<!tpu.dma_semaphore, #tpu.memory_space<semaphore_mem>>) {add = true}
      %dma_wait3A_409 = arith.constant 5 : i32
      %dma_wait3A_410 = arith.constant 1 : i32
      %dma_wait3A_411 = arith.constant 0 : i32
      %dma_wait3A_412 = arith.constant 0 : i32
      %dma_wait3A_413 = tpu.memref_slice %arg8[%dma_wait3A_410, %dma_wait3A_411, %dma_wait3A_412] : memref<4x128x64xf32, #tpu.memory_space<vmem>> -> memref<1x128x64xf32, #tpu.memory_space<vmem>>
      %dma_wait3A_414 = tpu.memref_squeeze %dma_wait3A_413 : memref<1x128x64xf32, #tpu.memory_space<vmem>> -> memref<128x64xf32, #tpu.memory_space<vmem>>
      %dma_wait3A_415 = arith.constant 0 : i32
      %dma_wait3A_416 = tpu.memref_slice %arg10[%rem3A_153, %dma_wait3A_409, %dma_wait3A_415] : memref<2x8x128xi32, #tpu.memory_space<vmem>> -> memref<1x1x128xi32, #tpu.memory_space<vmem>>
      %dma_wait3A_417 = tpu.memref_squeeze %dma_wait3A_416 : memref<1x1x128xi32, #tpu.memory_space<vmem>> -> memref<128xi32, #tpu.memory_space<vmem>>
      %dma_wait3A_418 = arith.constant 0 : i32
      %dma_wait3A_419 = arith.constant 0 : i32
      %dma_wait3A_420 = tpu.memref_slice %arg12[%dma_wait3A_418, %dma_wait3A_419] : memref<10112x64xf32, #tpu.memory_space<vmem_shared>> -> memref<10112x64xf32, #tpu.memory_space<vmem_shared>>
      tpu.wait_indirect_dma semaphore(%arg16 : memref<!tpu.dma_semaphore, #tpu.memory_space<semaphore_mem>>) src(%dma_wait3A_420 : memref<10112x64xf32, #tpu.memory_space<vmem_shared>>) dst(%dma_wait3A_414 : memref<128x64xf32, #tpu.memory_space<vmem>>)
      %dma_wait3A_421 = arith.constant 3 : i32
      %dma_wait3A_422 = arith.constant 5 : i32
      %dma_wait3A_423 = arith.constant 0 : i32
      %dma_wait3A_424 = arith.constant 0 : i32
      %dma_wait3A_425 = tpu.memref_slice %arg8[%dma_wait3A_421, %dma_wait3A_423, %dma_wait3A_424] : memref<4x128x64xf32, #tpu.memory_space<vmem>> -> memref<1x128x64xf32, #tpu.memory_space<vmem>>
      %dma_wait3A_426 = tpu.memref_squeeze %dma_wait3A_425 : memref<1x128x64xf32, #tpu.memory_space<vmem>> -> memref<128x64xf32, #tpu.memory_space<vmem>>
      %dma_wait3A_427 = arith.constant 0 : i32
      %dma_wait3A_428 = tpu.memref_slice %arg11[%rem3A_153, %dma_wait3A_422, %dma_wait3A_427] : memref<2x8x128xi32, #tpu.memory_space<vmem>> -> memref<1x1x128xi32, #tpu.memory_space<vmem>>
      %dma_wait3A_429 = tpu.memref_squeeze %dma_wait3A_428 : memref<1x1x128xi32, #tpu.memory_space<vmem>> -> memref<128xi32, #tpu.memory_space<vmem>>
      %dma_wait3A_430 = arith.constant 0 : i32
      %dma_wait3A_431 = arith.constant 0 : i32
      %dma_wait3A_432 = tpu.memref_slice %arg13[%dma_wait3A_430, %dma_wait3A_431] : memref<10112x64xf32, #tpu.memory_space<vmem_shared>> -> memref<10112x64xf32, #tpu.memory_space<vmem_shared>>
      tpu.wait_indirect_dma semaphore(%arg22 : memref<!tpu.dma_semaphore, #tpu.memory_space<semaphore_mem>>) src(%dma_wait3A_426 : memref<128x64xf32, #tpu.memory_space<vmem>>) dst(%dma_wait3A_432 : memref<10112x64xf32, #tpu.memory_space<vmem_shared>>)
      %eq3A_433 = arith.constant 0 : i32
      %eq3A_434 = arith.cmpi eq, %arg0, %eq3A_433 : i32
      %convert_element_type3A_435 = arith.extui %eq3A_434 : i1 to i32
      %cond3A_436 = arith.constant 0 : i32
      %cond3A_437 = arith.cmpi ne, %convert_element_type3A_435, %cond3A_436 : i32
      scf.if %cond3A_437 {
        %dma_wait3A_559 = arith.constant 5 : i32
        %dma_wait3A_560 = arith.constant 0 : i32
        %dma_wait3A_561 = tpu.memref_slice %arg11[%rem3A_153, %dma_wait3A_559, %dma_wait3A_560] : memref<2x8x128xi32, #tpu.memory_space<vmem>> -> memref<1x1x128xi32, #tpu.memory_space<vmem>>
        %dma_wait3A_562 = tpu.memref_squeeze %dma_wait3A_561 : memref<1x1x128xi32, #tpu.memory_space<vmem>> -> memref<128xi32, #tpu.memory_space<vmem>>
        %dma_wait3A_563 = arith.constant 0 : i32
        %dma_wait3A_564 = arith.constant 0 : i32
        %dma_wait3A_565 = tpu.memref_slice %arg14[%dma_wait3A_563, %dma_wait3A_564] : memref<10112x16xf32, #tpu.memory_space<vmem_shared>> -> memref<10112x16xf32, #tpu.memory_space<vmem_shared>>
        tpu.wait_indirect_dma semaphore(%arg24 : memref<!tpu.dma_semaphore, #tpu.memory_space<semaphore_mem>>) src(%arg9 : memref<128x16xf32, #tpu.memory_space<vmem>>) dst(%dma_wait3A_565 : memref<10112x16xf32, #tpu.memory_space<vmem_shared>>)
        %dma_start3A_566 = arith.constant 5 : i32
        %dma_start3A_567 = arith.constant 0 : i32
        %dma_start3A_568 = tpu.memref_slice %arg11[%rem3A_153, %dma_start3A_566, %dma_start3A_567] : memref<2x8x128xi32, #tpu.memory_space<vmem>> -> memref<1x1x128xi32, #tpu.memory_space<vmem>>
        %dma_start3A_569 = tpu.memref_squeeze %dma_start3A_568 : memref<1x1x128xi32, #tpu.memory_space<vmem>> -> memref<128xi32, #tpu.memory_space<vmem>>
        %dma_start3A_570 = arith.constant 0 : i32
        %dma_start3A_571 = arith.constant 0 : i32
        %dma_start3A_572 = tpu.memref_slice %arg14[%dma_start3A_570, %dma_start3A_571] : memref<10112x16xf32, #tpu.memory_space<vmem_shared>> -> memref<10112x16xf32, #tpu.memory_space<vmem_shared>>
        tpu.enqueue_indirect_dma source(%arg9 : memref<128x16xf32, #tpu.memory_space<vmem>>) target(%dma_start3A_572 : memref<10112x16xf32, #tpu.memory_space<vmem_shared>>) offsets(%dma_start3A_569 : memref<128xi32, #tpu.memory_space<vmem>>) semaphore(%arg24 : memref<!tpu.dma_semaphore, #tpu.memory_space<semaphore_mem>>) {add = true}
      } else {
      }
      %dma_start3A_438 = arith.constant 7 : i32
      %dma_start3A_439 = arith.constant 3 : i32
      %dma_start3A_440 = arith.constant 0 : i32
      %dma_start3A_441 = arith.constant 0 : i32
      %dma_start3A_442 = tpu.memref_slice %arg8[%dma_start3A_439, %dma_start3A_440, %dma_start3A_441] : memref<4x128x64xf32, #tpu.memory_space<vmem>> -> memref<1x128x64xf32, #tpu.memory_space<vmem>>
      %dma_start3A_443 = tpu.memref_squeeze %dma_start3A_442 : memref<1x128x64xf32, #tpu.memory_space<vmem>> -> memref<128x64xf32, #tpu.memory_space<vmem>>
      %dma_start3A_444 = arith.constant 0 : i32
      %dma_start3A_445 = tpu.memref_slice %arg10[%rem3A_153, %dma_start3A_438, %dma_start3A_444] : memref<2x8x128xi32, #tpu.memory_space<vmem>> -> memref<1x1x128xi32, #tpu.memory_space<vmem>>
      %dma_start3A_446 = tpu.memref_squeeze %dma_start3A_445 : memref<1x1x128xi32, #tpu.memory_space<vmem>> -> memref<128xi32, #tpu.memory_space<vmem>>
      %dma_start3A_447 = arith.constant 0 : i32
      %dma_start3A_448 = arith.constant 0 : i32
      %dma_start3A_449 = tpu.memref_slice %arg12[%dma_start3A_447, %dma_start3A_448] : memref<10112x64xf32, #tpu.memory_space<vmem_shared>> -> memref<10112x64xf32, #tpu.memory_space<vmem_shared>>
      tpu.enqueue_indirect_dma source(%dma_start3A_449 : memref<10112x64xf32, #tpu.memory_space<vmem_shared>>) target(%dma_start3A_443 : memref<128x64xf32, #tpu.memory_space<vmem>>) offsets(%dma_start3A_446 : memref<128xi32, #tpu.memory_space<vmem>>) semaphore(%arg18 : memref<!tpu.dma_semaphore, #tpu.memory_space<semaphore_mem>>)
      %dma_start3A_450 = arith.constant 1 : i32
      %dma_start3A_451 = arith.constant 5 : i32
      %dma_start3A_452 = arith.constant 0 : i32
      %dma_start3A_453 = arith.constant 0 : i32
      %dma_start3A_454 = tpu.memref_slice %arg8[%dma_start3A_450, %dma_start3A_452, %dma_start3A_453] : memref<4x128x64xf32, #tpu.memory_space<vmem>> -> memref<1x128x64xf32, #tpu.memory_space<vmem>>
      %dma_start3A_455 = tpu.memref_squeeze %dma_start3A_454 : memref<1x128x64xf32, #tpu.memory_space<vmem>> -> memref<128x64xf32, #tpu.memory_space<vmem>>
      %dma_start3A_456 = arith.constant 0 : i32
      %dma_start3A_457 = tpu.memref_slice %arg11[%rem3A_153, %dma_start3A_451, %dma_start3A_456] : memref<2x8x128xi32, #tpu.memory_space<vmem>> -> memref<1x1x128xi32, #tpu.memory_space<vmem>>
      %dma_start3A_458 = tpu.memref_squeeze %dma_start3A_457 : memref<1x1x128xi32, #tpu.memory_space<vmem>> -> memref<128xi32, #tpu.memory_space<vmem>>
      %dma_start3A_459 = arith.constant 0 : i32
      %dma_start3A_460 = arith.constant 0 : i32
      %dma_start3A_461 = tpu.memref_slice %arg13[%dma_start3A_459, %dma_start3A_460] : memref<10112x64xf32, #tpu.memory_space<vmem_shared>> -> memref<10112x64xf32, #tpu.memory_space<vmem_shared>>
      tpu.enqueue_indirect_dma source(%dma_start3A_455 : memref<128x64xf32, #tpu.memory_space<vmem>>) target(%dma_start3A_461 : memref<10112x64xf32, #tpu.memory_space<vmem_shared>>) offsets(%dma_start3A_458 : memref<128xi32, #tpu.memory_space<vmem>>) semaphore(%arg20 : memref<!tpu.dma_semaphore, #tpu.memory_space<semaphore_mem>>) {add = true}
      %dma_wait3A_462 = arith.constant 6 : i32
      %dma_wait3A_463 = arith.constant 2 : i32
      %dma_wait3A_464 = arith.constant 0 : i32
      %dma_wait3A_465 = arith.constant 0 : i32
      %dma_wait3A_466 = tpu.memref_slice %arg8[%dma_wait3A_463, %dma_wait3A_464, %dma_wait3A_465] : memref<4x128x64xf32, #tpu.memory_space<vmem>> -> memref<1x128x64xf32, #tpu.memory_space<vmem>>
      %dma_wait3A_467 = tpu.memref_squeeze %dma_wait3A_466 : memref<1x128x64xf32, #tpu.memory_space<vmem>> -> memref<128x64xf32, #tpu.memory_space<vmem>>
      %dma_wait3A_468 = arith.constant 0 : i32
      %dma_wait3A_469 = tpu.memref_slice %arg10[%rem3A_153, %dma_wait3A_462, %dma_wait3A_468] : memref<2x8x128xi32, #tpu.memory_space<vmem>> -> memref<1x1x128xi32, #tpu.memory_space<vmem>>
      %dma_wait3A_470 = tpu.memref_squeeze %dma_wait3A_469 : memref<1x1x128xi32, #tpu.memory_space<vmem>> -> memref<128xi32, #tpu.memory_space<vmem>>
      %dma_wait3A_471 = arith.constant 0 : i32
      %dma_wait3A_472 = arith.constant 0 : i32
      %dma_wait3A_473 = tpu.memref_slice %arg12[%dma_wait3A_471, %dma_wait3A_472] : memref<10112x64xf32, #tpu.memory_space<vmem_shared>> -> memref<10112x64xf32, #tpu.memory_space<vmem_shared>>
      tpu.wait_indirect_dma semaphore(%arg17 : memref<!tpu.dma_semaphore, #tpu.memory_space<semaphore_mem>>) src(%dma_wait3A_473 : memref<10112x64xf32, #tpu.memory_space<vmem_shared>>) dst(%dma_wait3A_467 : memref<128x64xf32, #tpu.memory_space<vmem>>)
      %dma_wait3A_474 = arith.constant 0 : i32
      %dma_wait3A_475 = arith.constant 6 : i32
      %dma_wait3A_476 = arith.constant 0 : i32
      %dma_wait3A_477 = arith.constant 0 : i32
      %dma_wait3A_478 = tpu.memref_slice %arg8[%dma_wait3A_474, %dma_wait3A_476, %dma_wait3A_477] : memref<4x128x64xf32, #tpu.memory_space<vmem>> -> memref<1x128x64xf32, #tpu.memory_space<vmem>>
      %dma_wait3A_479 = tpu.memref_squeeze %dma_wait3A_478 : memref<1x128x64xf32, #tpu.memory_space<vmem>> -> memref<128x64xf32, #tpu.memory_space<vmem>>
      %dma_wait3A_480 = arith.constant 0 : i32
      %dma_wait3A_481 = tpu.memref_slice %arg11[%rem3A_153, %dma_wait3A_475, %dma_wait3A_480] : memref<2x8x128xi32, #tpu.memory_space<vmem>> -> memref<1x1x128xi32, #tpu.memory_space<vmem>>
      %dma_wait3A_482 = tpu.memref_squeeze %dma_wait3A_481 : memref<1x1x128xi32, #tpu.memory_space<vmem>> -> memref<128xi32, #tpu.memory_space<vmem>>
      %dma_wait3A_483 = arith.constant 0 : i32
      %dma_wait3A_484 = arith.constant 0 : i32
      %dma_wait3A_485 = tpu.memref_slice %arg13[%dma_wait3A_483, %dma_wait3A_484] : memref<10112x64xf32, #tpu.memory_space<vmem_shared>> -> memref<10112x64xf32, #tpu.memory_space<vmem_shared>>
      tpu.wait_indirect_dma semaphore(%arg19 : memref<!tpu.dma_semaphore, #tpu.memory_space<semaphore_mem>>) src(%dma_wait3A_479 : memref<128x64xf32, #tpu.memory_space<vmem>>) dst(%dma_wait3A_485 : memref<10112x64xf32, #tpu.memory_space<vmem_shared>>)
      %eq3A_486 = arith.constant 0 : i32
      %eq3A_487 = arith.cmpi eq, %arg0, %eq3A_486 : i32
      %convert_element_type3A_488 = arith.extui %eq3A_487 : i1 to i32
      %cond3A_489 = arith.constant 0 : i32
      %cond3A_490 = arith.cmpi ne, %convert_element_type3A_488, %cond3A_489 : i32
      scf.if %cond3A_490 {
        %dma_wait3A_559 = arith.constant 6 : i32
        %dma_wait3A_560 = arith.constant 0 : i32
        %dma_wait3A_561 = tpu.memref_slice %arg11[%rem3A_153, %dma_wait3A_559, %dma_wait3A_560] : memref<2x8x128xi32, #tpu.memory_space<vmem>> -> memref<1x1x128xi32, #tpu.memory_space<vmem>>
        %dma_wait3A_562 = tpu.memref_squeeze %dma_wait3A_561 : memref<1x1x128xi32, #tpu.memory_space<vmem>> -> memref<128xi32, #tpu.memory_space<vmem>>
        %dma_wait3A_563 = arith.constant 0 : i32
        %dma_wait3A_564 = arith.constant 0 : i32
        %dma_wait3A_565 = tpu.memref_slice %arg14[%dma_wait3A_563, %dma_wait3A_564] : memref<10112x16xf32, #tpu.memory_space<vmem_shared>> -> memref<10112x16xf32, #tpu.memory_space<vmem_shared>>
        tpu.wait_indirect_dma semaphore(%arg23 : memref<!tpu.dma_semaphore, #tpu.memory_space<semaphore_mem>>) src(%arg9 : memref<128x16xf32, #tpu.memory_space<vmem>>) dst(%dma_wait3A_565 : memref<10112x16xf32, #tpu.memory_space<vmem_shared>>)
        %dma_start3A_566 = arith.constant 6 : i32
        %dma_start3A_567 = arith.constant 0 : i32
        %dma_start3A_568 = tpu.memref_slice %arg11[%rem3A_153, %dma_start3A_566, %dma_start3A_567] : memref<2x8x128xi32, #tpu.memory_space<vmem>> -> memref<1x1x128xi32, #tpu.memory_space<vmem>>
        %dma_start3A_569 = tpu.memref_squeeze %dma_start3A_568 : memref<1x1x128xi32, #tpu.memory_space<vmem>> -> memref<128xi32, #tpu.memory_space<vmem>>
        %dma_start3A_570 = arith.constant 0 : i32
        %dma_start3A_571 = arith.constant 0 : i32
        %dma_start3A_572 = tpu.memref_slice %arg14[%dma_start3A_570, %dma_start3A_571] : memref<10112x16xf32, #tpu.memory_space<vmem_shared>> -> memref<10112x16xf32, #tpu.memory_space<vmem_shared>>
        tpu.enqueue_indirect_dma source(%arg9 : memref<128x16xf32, #tpu.memory_space<vmem>>) target(%dma_start3A_572 : memref<10112x16xf32, #tpu.memory_space<vmem_shared>>) offsets(%dma_start3A_569 : memref<128xi32, #tpu.memory_space<vmem>>) semaphore(%arg23 : memref<!tpu.dma_semaphore, #tpu.memory_space<semaphore_mem>>) {add = true}
      } else {
      }
      %lt3A_491 = arith.constant 19 : i32
      %lt3A_492 = arith.cmpi slt, %scan3A_152, %lt3A_491 : i32
      %convert_element_type3A_493 = arith.extui %lt3A_492 : i1 to i32
      %cond3A_494 = arith.constant 0 : i32
      %cond3A_495 = arith.cmpi ne, %convert_element_type3A_493, %cond3A_494 : i32
      scf.if %cond3A_495 {
        %add3A = arith.constant 1 : i32
        %add3A_559 = arith.addi %scan3A_152, %add3A : i32
        %mul3A_560 = arith.constant 8 : i32
        %mul3A_561 = arith.muli %add3A_559, %mul3A_560 : i32
        %mul3A_562 = arith.constant 8 : i32
        %mul3A_563 = arith.muli %add3A_559, %mul3A_562 : i32
        %dma_wait3A_564 = arith.constant 0 : i32
        %dma_wait3A_565 = arith.constant 0 : i32
        %dma_wait3A_566 = tpu.memref_slice %arg10[%sub3A_154, %dma_wait3A_564, %dma_wait3A_565] : memref<2x8x128xi32, #tpu.memory_space<vmem>> -> memref<1x8x128xi32, #tpu.memory_space<vmem>>
        %dma_wait3A_567 = tpu.memref_squeeze %dma_wait3A_566 : memref<1x8x128xi32, #tpu.memory_space<vmem>> -> memref<8x128xi32, #tpu.memory_space<vmem>>
        %dma_wait3A_568 = arith.constant 0 : i32
        %dma_wait3A_569 = tpu.memref_slice %arg3[%arg1, %mul3A_561, %dma_wait3A_568] : memref<16x160x128xi32, #tpu.memory_space<hbm>> -> memref<1x8x128xi32, #tpu.memory_space<hbm>>
        %dma_wait3A_570 = tpu.memref_squeeze %dma_wait3A_569 : memref<1x8x128xi32, #tpu.memory_space<hbm>> -> memref<8x128xi32, #tpu.memory_space<hbm>>
        %dma_wait3A_571 = arith.constant 0 : i32
        %dma_wait3A_572 = arith.constant 0 : i32
        %dma_wait3A_573 = tpu.memref_slice %arg10[%sub3A_154, %dma_wait3A_571, %dma_wait3A_572] : memref<2x8x128xi32, #tpu.memory_space<vmem>> -> memref<1x8x128xi32, #tpu.memory_space<vmem>>
        %dma_wait3A_574 = tpu.memref_squeeze %dma_wait3A_573 : memref<1x8x128xi32, #tpu.memory_space<vmem>> -> memref<8x128xi32, #tpu.memory_space<vmem>>
        %dma_wait3A_575 = arith.constant 0 : i32
        %dma_wait3A_576 = tpu.memref_slice %arg3[%arg1, %mul3A_561, %dma_wait3A_575] : memref<16x160x128xi32, #tpu.memory_space<hbm>> -> memref<1x8x128xi32, #tpu.memory_space<hbm>>
        %dma_wait3A_577 = tpu.memref_squeeze %dma_wait3A_576 : memref<1x8x128xi32, #tpu.memory_space<hbm>> -> memref<8x128xi32, #tpu.memory_space<hbm>>
        tpu.wait_dma2 semaphore(%arg25 : memref<!tpu.dma_semaphore, #tpu.memory_space<semaphore_mem>>) src(%dma_wait3A_577 : memref<8x128xi32, #tpu.memory_space<hbm>>) dst(%dma_wait3A_574 : memref<8x128xi32, #tpu.memory_space<vmem>>)
        %dma_wait3A_578 = arith.constant 0 : i32
        %dma_wait3A_579 = arith.constant 0 : i32
        %dma_wait3A_580 = tpu.memref_slice %arg11[%sub3A_154, %dma_wait3A_578, %dma_wait3A_579] : memref<2x8x128xi32, #tpu.memory_space<vmem>> -> memref<1x8x128xi32, #tpu.memory_space<vmem>>
        %dma_wait3A_581 = tpu.memref_squeeze %dma_wait3A_580 : memref<1x8x128xi32, #tpu.memory_space<vmem>> -> memref<8x128xi32, #tpu.memory_space<vmem>>
        %dma_wait3A_582 = arith.constant 0 : i32
        %dma_wait3A_583 = tpu.memref_slice %arg4[%arg1, %mul3A_563, %dma_wait3A_582] : memref<16x160x128xi32, #tpu.memory_space<hbm>> -> memref<1x8x128xi32, #tpu.memory_space<hbm>>
        %dma_wait3A_584 = tpu.memref_squeeze %dma_wait3A_583 : memref<1x8x128xi32, #tpu.memory_space<hbm>> -> memref<8x128xi32, #tpu.memory_space<hbm>>
        %dma_wait3A_585 = arith.constant 0 : i32
        %dma_wait3A_586 = arith.constant 0 : i32
        %dma_wait3A_587 = tpu.memref_slice %arg11[%sub3A_154, %dma_wait3A_585, %dma_wait3A_586] : memref<2x8x128xi32, #tpu.memory_space<vmem>> -> memref<1x8x128xi32, #tpu.memory_space<vmem>>
        %dma_wait3A_588 = tpu.memref_squeeze %dma_wait3A_587 : memref<1x8x128xi32, #tpu.memory_space<vmem>> -> memref<8x128xi32, #tpu.memory_space<vmem>>
        %dma_wait3A_589 = arith.constant 0 : i32
        %dma_wait3A_590 = tpu.memref_slice %arg4[%arg1, %mul3A_563, %dma_wait3A_589] : memref<16x160x128xi32, #tpu.memory_space<hbm>> -> memref<1x8x128xi32, #tpu.memory_space<hbm>>
        %dma_wait3A_591 = tpu.memref_squeeze %dma_wait3A_590 : memref<1x8x128xi32, #tpu.memory_space<hbm>> -> memref<8x128xi32, #tpu.memory_space<hbm>>
        tpu.wait_dma2 semaphore(%arg26 : memref<!tpu.dma_semaphore, #tpu.memory_space<semaphore_mem>>) src(%dma_wait3A_591 : memref<8x128xi32, #tpu.memory_space<hbm>>) dst(%dma_wait3A_588 : memref<8x128xi32, #tpu.memory_space<vmem>>)
      } else {
      }
      %lt3A_496 = arith.constant 19 : i32
      %lt3A_497 = arith.cmpi slt, %scan3A_152, %lt3A_496 : i32
      %convert_element_type3A_498 = arith.extui %lt3A_497 : i1 to i32
      %cond3A_499 = arith.constant 0 : i32
      %cond3A_500 = arith.cmpi ne, %convert_element_type3A_498, %cond3A_499 : i32
      scf.if %cond3A_500 {
        %dma_start3A_559 = arith.constant 0 : i32
        %dma_start3A_560 = arith.constant 0 : i32
        %dma_start3A_561 = arith.constant 0 : i32
        %dma_start3A_562 = arith.constant 0 : i32
        %dma_start3A_563 = tpu.memref_slice %arg8[%dma_start3A_560, %dma_start3A_561, %dma_start3A_562] : memref<4x128x64xf32, #tpu.memory_space<vmem>> -> memref<1x128x64xf32, #tpu.memory_space<vmem>>
        %dma_start3A_564 = tpu.memref_squeeze %dma_start3A_563 : memref<1x128x64xf32, #tpu.memory_space<vmem>> -> memref<128x64xf32, #tpu.memory_space<vmem>>
        %dma_start3A_565 = arith.constant 0 : i32
        %dma_start3A_566 = tpu.memref_slice %arg10[%sub3A_154, %dma_start3A_559, %dma_start3A_565] : memref<2x8x128xi32, #tpu.memory_space<vmem>> -> memref<1x1x128xi32, #tpu.memory_space<vmem>>
        %dma_start3A_567 = tpu.memref_squeeze %dma_start3A_566 : memref<1x1x128xi32, #tpu.memory_space<vmem>> -> memref<128xi32, #tpu.memory_space<vmem>>
        %dma_start3A_568 = arith.constant 0 : i32
        %dma_start3A_569 = arith.constant 0 : i32
        %dma_start3A_570 = tpu.memref_slice %arg12[%dma_start3A_568, %dma_start3A_569] : memref<10112x64xf32, #tpu.memory_space<vmem_shared>> -> memref<10112x64xf32, #tpu.memory_space<vmem_shared>>
        tpu.enqueue_indirect_dma source(%dma_start3A_570 : memref<10112x64xf32, #tpu.memory_space<vmem_shared>>) target(%dma_start3A_564 : memref<128x64xf32, #tpu.memory_space<vmem>>) offsets(%dma_start3A_567 : memref<128xi32, #tpu.memory_space<vmem>>) semaphore(%arg15 : memref<!tpu.dma_semaphore, #tpu.memory_space<semaphore_mem>>)
      } else {
      }
      %dma_start3A_501 = arith.constant 2 : i32
      %dma_start3A_502 = arith.constant 6 : i32
      %dma_start3A_503 = arith.constant 0 : i32
      %dma_start3A_504 = arith.constant 0 : i32
      %dma_start3A_505 = tpu.memref_slice %arg8[%dma_start3A_501, %dma_start3A_503, %dma_start3A_504] : memref<4x128x64xf32, #tpu.memory_space<vmem>> -> memref<1x128x64xf32, #tpu.memory_space<vmem>>
      %dma_start3A_506 = tpu.memref_squeeze %dma_start3A_505 : memref<1x128x64xf32, #tpu.memory_space<vmem>> -> memref<128x64xf32, #tpu.memory_space<vmem>>
      %dma_start3A_507 = arith.constant 0 : i32
      %dma_start3A_508 = tpu.memref_slice %arg11[%rem3A_153, %dma_start3A_502, %dma_start3A_507] : memref<2x8x128xi32, #tpu.memory_space<vmem>> -> memref<1x1x128xi32, #tpu.memory_space<vmem>>
      %dma_start3A_509 = tpu.memref_squeeze %dma_start3A_508 : memref<1x1x128xi32, #tpu.memory_space<vmem>> -> memref<128xi32, #tpu.memory_space<vmem>>
      %dma_start3A_510 = arith.constant 0 : i32
      %dma_start3A_511 = arith.constant 0 : i32
      %dma_start3A_512 = tpu.memref_slice %arg13[%dma_start3A_510, %dma_start3A_511] : memref<10112x64xf32, #tpu.memory_space<vmem_shared>> -> memref<10112x64xf32, #tpu.memory_space<vmem_shared>>
      tpu.enqueue_indirect_dma source(%dma_start3A_506 : memref<128x64xf32, #tpu.memory_space<vmem>>) target(%dma_start3A_512 : memref<10112x64xf32, #tpu.memory_space<vmem_shared>>) offsets(%dma_start3A_509 : memref<128xi32, #tpu.memory_space<vmem>>) semaphore(%arg21 : memref<!tpu.dma_semaphore, #tpu.memory_space<semaphore_mem>>) {add = true}
      %dma_wait3A_513 = arith.constant 7 : i32
      %dma_wait3A_514 = arith.constant 3 : i32
      %dma_wait3A_515 = arith.constant 0 : i32
      %dma_wait3A_516 = arith.constant 0 : i32
      %dma_wait3A_517 = tpu.memref_slice %arg8[%dma_wait3A_514, %dma_wait3A_515, %dma_wait3A_516] : memref<4x128x64xf32, #tpu.memory_space<vmem>> -> memref<1x128x64xf32, #tpu.memory_space<vmem>>
      %dma_wait3A_518 = tpu.memref_squeeze %dma_wait3A_517 : memref<1x128x64xf32, #tpu.memory_space<vmem>> -> memref<128x64xf32, #tpu.memory_space<vmem>>
      %dma_wait3A_519 = arith.constant 0 : i32
      %dma_wait3A_520 = tpu.memref_slice %arg10[%rem3A_153, %dma_wait3A_513, %dma_wait3A_519] : memref<2x8x128xi32, #tpu.memory_space<vmem>> -> memref<1x1x128xi32, #tpu.memory_space<vmem>>
      %dma_wait3A_521 = tpu.memref_squeeze %dma_wait3A_520 : memref<1x1x128xi32, #tpu.memory_space<vmem>> -> memref<128xi32, #tpu.memory_space<vmem>>
      %dma_wait3A_522 = arith.constant 0 : i32
      %dma_wait3A_523 = arith.constant 0 : i32
      %dma_wait3A_524 = tpu.memref_slice %arg12[%dma_wait3A_522, %dma_wait3A_523] : memref<10112x64xf32, #tpu.memory_space<vmem_shared>> -> memref<10112x64xf32, #tpu.memory_space<vmem_shared>>
      tpu.wait_indirect_dma semaphore(%arg18 : memref<!tpu.dma_semaphore, #tpu.memory_space<semaphore_mem>>) src(%dma_wait3A_524 : memref<10112x64xf32, #tpu.memory_space<vmem_shared>>) dst(%dma_wait3A_518 : memref<128x64xf32, #tpu.memory_space<vmem>>)
      %dma_wait3A_525 = arith.constant 1 : i32
      %dma_wait3A_526 = arith.constant 7 : i32
      %dma_wait3A_527 = arith.constant 0 : i32
      %dma_wait3A_528 = arith.constant 0 : i32
      %dma_wait3A_529 = tpu.memref_slice %arg8[%dma_wait3A_525, %dma_wait3A_527, %dma_wait3A_528] : memref<4x128x64xf32, #tpu.memory_space<vmem>> -> memref<1x128x64xf32, #tpu.memory_space<vmem>>
      %dma_wait3A_530 = tpu.memref_squeeze %dma_wait3A_529 : memref<1x128x64xf32, #tpu.memory_space<vmem>> -> memref<128x64xf32, #tpu.memory_space<vmem>>
      %dma_wait3A_531 = arith.constant 0 : i32
      %dma_wait3A_532 = tpu.memref_slice %arg11[%rem3A_153, %dma_wait3A_526, %dma_wait3A_531] : memref<2x8x128xi32, #tpu.memory_space<vmem>> -> memref<1x1x128xi32, #tpu.memory_space<vmem>>
      %dma_wait3A_533 = tpu.memref_squeeze %dma_wait3A_532 : memref<1x1x128xi32, #tpu.memory_space<vmem>> -> memref<128xi32, #tpu.memory_space<vmem>>
      %dma_wait3A_534 = arith.constant 0 : i32
      %dma_wait3A_535 = arith.constant 0 : i32
      %dma_wait3A_536 = tpu.memref_slice %arg13[%dma_wait3A_534, %dma_wait3A_535] : memref<10112x64xf32, #tpu.memory_space<vmem_shared>> -> memref<10112x64xf32, #tpu.memory_space<vmem_shared>>
      tpu.wait_indirect_dma semaphore(%arg20 : memref<!tpu.dma_semaphore, #tpu.memory_space<semaphore_mem>>) src(%dma_wait3A_530 : memref<128x64xf32, #tpu.memory_space<vmem>>) dst(%dma_wait3A_536 : memref<10112x64xf32, #tpu.memory_space<vmem_shared>>)
      %eq3A_537 = arith.constant 0 : i32
      %eq3A_538 = arith.cmpi eq, %arg0, %eq3A_537 : i32
      %convert_element_type3A_539 = arith.extui %eq3A_538 : i1 to i32
      %cond3A_540 = arith.constant 0 : i32
      %cond3A_541 = arith.cmpi ne, %convert_element_type3A_539, %cond3A_540 : i32
      scf.if %cond3A_541 {
        %dma_wait3A_559 = arith.constant 7 : i32
        %dma_wait3A_560 = arith.constant 0 : i32
        %dma_wait3A_561 = tpu.memref_slice %arg11[%rem3A_153, %dma_wait3A_559, %dma_wait3A_560] : memref<2x8x128xi32, #tpu.memory_space<vmem>> -> memref<1x1x128xi32, #tpu.memory_space<vmem>>
        %dma_wait3A_562 = tpu.memref_squeeze %dma_wait3A_561 : memref<1x1x128xi32, #tpu.memory_space<vmem>> -> memref<128xi32, #tpu.memory_space<vmem>>
        %dma_wait3A_563 = arith.constant 0 : i32
        %dma_wait3A_564 = arith.constant 0 : i32
        %dma_wait3A_565 = tpu.memref_slice %arg14[%dma_wait3A_563, %dma_wait3A_564] : memref<10112x16xf32, #tpu.memory_space<vmem_shared>> -> memref<10112x16xf32, #tpu.memory_space<vmem_shared>>
        tpu.wait_indirect_dma semaphore(%arg24 : memref<!tpu.dma_semaphore, #tpu.memory_space<semaphore_mem>>) src(%arg9 : memref<128x16xf32, #tpu.memory_space<vmem>>) dst(%dma_wait3A_565 : memref<10112x16xf32, #tpu.memory_space<vmem_shared>>)
        %dma_start3A_566 = arith.constant 7 : i32
        %dma_start3A_567 = arith.constant 0 : i32
        %dma_start3A_568 = tpu.memref_slice %arg11[%rem3A_153, %dma_start3A_566, %dma_start3A_567] : memref<2x8x128xi32, #tpu.memory_space<vmem>> -> memref<1x1x128xi32, #tpu.memory_space<vmem>>
        %dma_start3A_569 = tpu.memref_squeeze %dma_start3A_568 : memref<1x1x128xi32, #tpu.memory_space<vmem>> -> memref<128xi32, #tpu.memory_space<vmem>>
        %dma_start3A_570 = arith.constant 0 : i32
        %dma_start3A_571 = arith.constant 0 : i32
        %dma_start3A_572 = tpu.memref_slice %arg14[%dma_start3A_570, %dma_start3A_571] : memref<10112x16xf32, #tpu.memory_space<vmem_shared>> -> memref<10112x16xf32, #tpu.memory_space<vmem_shared>>
        tpu.enqueue_indirect_dma source(%arg9 : memref<128x16xf32, #tpu.memory_space<vmem>>) target(%dma_start3A_572 : memref<10112x16xf32, #tpu.memory_space<vmem_shared>>) offsets(%dma_start3A_569 : memref<128xi32, #tpu.memory_space<vmem>>) semaphore(%arg24 : memref<!tpu.dma_semaphore, #tpu.memory_space<semaphore_mem>>) {add = true}
      } else {
      }
      %lt3A_542 = arith.constant 19 : i32
      %lt3A_543 = arith.cmpi slt, %scan3A_152, %lt3A_542 : i32
      %convert_element_type3A_544 = arith.extui %lt3A_543 : i1 to i32
      %cond3A_545 = arith.constant 0 : i32
      %cond3A_546 = arith.cmpi ne, %convert_element_type3A_544, %cond3A_545 : i32
      scf.if %cond3A_546 {
        %dma_start3A_559 = arith.constant 1 : i32
        %dma_start3A_560 = arith.constant 1 : i32
        %dma_start3A_561 = arith.constant 0 : i32
        %dma_start3A_562 = arith.constant 0 : i32
        %dma_start3A_563 = tpu.memref_slice %arg8[%dma_start3A_560, %dma_start3A_561, %dma_start3A_562] : memref<4x128x64xf32, #tpu.memory_space<vmem>> -> memref<1x128x64xf32, #tpu.memory_space<vmem>>
        %dma_start3A_564 = tpu.memref_squeeze %dma_start3A_563 : memref<1x128x64xf32, #tpu.memory_space<vmem>> -> memref<128x64xf32, #tpu.memory_space<vmem>>
        %dma_start3A_565 = arith.constant 0 : i32
        %dma_start3A_566 = tpu.memref_slice %arg10[%sub3A_154, %dma_start3A_559, %dma_start3A_565] : memref<2x8x128xi32, #tpu.memory_space<vmem>> -> memref<1x1x128xi32, #tpu.memory_space<vmem>>
        %dma_start3A_567 = tpu.memref_squeeze %dma_start3A_566 : memref<1x1x128xi32, #tpu.memory_space<vmem>> -> memref<128xi32, #tpu.memory_space<vmem>>
        %dma_start3A_568 = arith.constant 0 : i32
        %dma_start3A_569 = arith.constant 0 : i32
        %dma_start3A_570 = tpu.memref_slice %arg12[%dma_start3A_568, %dma_start3A_569] : memref<10112x64xf32, #tpu.memory_space<vmem_shared>> -> memref<10112x64xf32, #tpu.memory_space<vmem_shared>>
        tpu.enqueue_indirect_dma source(%dma_start3A_570 : memref<10112x64xf32, #tpu.memory_space<vmem_shared>>) target(%dma_start3A_564 : memref<128x64xf32, #tpu.memory_space<vmem>>) offsets(%dma_start3A_567 : memref<128xi32, #tpu.memory_space<vmem>>) semaphore(%arg16 : memref<!tpu.dma_semaphore, #tpu.memory_space<semaphore_mem>>)
      } else {
      }
      %dma_start3A_547 = arith.constant 3 : i32
      %dma_start3A_548 = arith.constant 7 : i32
      %dma_start3A_549 = arith.constant 0 : i32
      %dma_start3A_550 = arith.constant 0 : i32
      %dma_start3A_551 = tpu.memref_slice %arg8[%dma_start3A_547, %dma_start3A_549, %dma_start3A_550] : memref<4x128x64xf32, #tpu.memory_space<vmem>> -> memref<1x128x64xf32, #tpu.memory_space<vmem>>
      %dma_start3A_552 = tpu.memref_squeeze %dma_start3A_551 : memref<1x128x64xf32, #tpu.memory_space<vmem>> -> memref<128x64xf32, #tpu.memory_space<vmem>>
      %dma_start3A_553 = arith.constant 0 : i32
      %dma_start3A_554 = tpu.memref_slice %arg11[%rem3A_153, %dma_start3A_548, %dma_start3A_553] : memref<2x8x128xi32, #tpu.memory_space<vmem>> -> memref<1x1x128xi32, #tpu.memory_space<vmem>>
      %dma_start3A_555 = tpu.memref_squeeze %dma_start3A_554 : memref<1x1x128xi32, #tpu.memory_space<vmem>> -> memref<128xi32, #tpu.memory_space<vmem>>
      %dma_start3A_556 = arith.constant 0 : i32
      %dma_start3A_557 = arith.constant 0 : i32
      %dma_start3A_558 = tpu.memref_slice %arg13[%dma_start3A_556, %dma_start3A_557] : memref<10112x64xf32, #tpu.memory_space<vmem_shared>> -> memref<10112x64xf32, #tpu.memory_space<vmem_shared>>
      tpu.enqueue_indirect_dma source(%dma_start3A_552 : memref<128x64xf32, #tpu.memory_space<vmem>>) target(%dma_start3A_558 : memref<10112x64xf32, #tpu.memory_space<vmem_shared>>) offsets(%dma_start3A_555 : memref<128xi32, #tpu.memory_space<vmem>>) semaphore(%arg22 : memref<!tpu.dma_semaphore, #tpu.memory_space<semaphore_mem>>) {add = true}
    }
    %scan3A_110 = arith.constant 20 : i32
    %dma_wait3A_111 = arith.constant 2 : i32
    %dma_wait3A_112 = arith.constant 0 : i32
    %dma_wait3A_113 = arith.constant 0 : i32
    %dma_wait3A_114 = arith.constant 0 : i32
    %dma_wait3A_115 = arith.constant 0 : i32
    %dma_wait3A_116 = tpu.memref_slice %arg8[%dma_wait3A_111, %dma_wait3A_114, %dma_wait3A_115] : memref<4x128x64xf32, #tpu.memory_space<vmem>> -> memref<1x128x64xf32, #tpu.memory_space<vmem>>
    %dma_wait3A_117 = tpu.memref_squeeze %dma_wait3A_116 : memref<1x128x64xf32, #tpu.memory_space<vmem>> -> memref<128x64xf32, #tpu.memory_space<vmem>>
    %dma_wait3A_118 = arith.constant 0 : i32
    %dma_wait3A_119 = tpu.memref_slice %arg11[%dma_wait3A_112, %dma_wait3A_113, %dma_wait3A_118] : memref<2x8x128xi32, #tpu.memory_space<vmem>> -> memref<1x1x128xi32, #tpu.memory_space<vmem>>
    %dma_wait3A_120 = tpu.memref_squeeze %dma_wait3A_119 : memref<1x1x128xi32, #tpu.memory_space<vmem>> -> memref<128xi32, #tpu.memory_space<vmem>>
    %dma_wait3A_121 = arith.constant 0 : i32
    %dma_wait3A_122 = arith.constant 0 : i32
    %dma_wait3A_123 = tpu.memref_slice %arg13[%dma_wait3A_121, %dma_wait3A_122] : memref<10112x64xf32, #tpu.memory_space<vmem_shared>> -> memref<10112x64xf32, #tpu.memory_space<vmem_shared>>
    tpu.wait_indirect_dma semaphore(%arg21 : memref<!tpu.dma_semaphore, #tpu.memory_space<semaphore_mem>>) src(%dma_wait3A_117 : memref<128x64xf32, #tpu.memory_space<vmem>>) dst(%dma_wait3A_123 : memref<10112x64xf32, #tpu.memory_space<vmem_shared>>)
    %dma_wait3A_124 = arith.constant 3 : i32
    %dma_wait3A_125 = arith.constant 0 : i32
    %dma_wait3A_126 = arith.constant 0 : i32
    %dma_wait3A_127 = arith.constant 0 : i32
    %dma_wait3A_128 = arith.constant 0 : i32
    %dma_wait3A_129 = tpu.memref_slice %arg8[%dma_wait3A_124, %dma_wait3A_127, %dma_wait3A_128] : memref<4x128x64xf32, #tpu.memory_space<vmem>> -> memref<1x128x64xf32, #tpu.memory_space<vmem>>
    %dma_wait3A_130 = tpu.memref_squeeze %dma_wait3A_129 : memref<1x128x64xf32, #tpu.memory_space<vmem>> -> memref<128x64xf32, #tpu.memory_space<vmem>>
    %dma_wait3A_131 = arith.constant 0 : i32
    %dma_wait3A_132 = tpu.memref_slice %arg11[%dma_wait3A_125, %dma_wait3A_126, %dma_wait3A_131] : memref<2x8x128xi32, #tpu.memory_space<vmem>> -> memref<1x1x128xi32, #tpu.memory_space<vmem>>
    %dma_wait3A_133 = tpu.memref_squeeze %dma_wait3A_132 : memref<1x1x128xi32, #tpu.memory_space<vmem>> -> memref<128xi32, #tpu.memory_space<vmem>>
    %dma_wait3A_134 = arith.constant 0 : i32
    %dma_wait3A_135 = arith.constant 0 : i32
    %dma_wait3A_136 = tpu.memref_slice %arg13[%dma_wait3A_134, %dma_wait3A_135] : memref<10112x64xf32, #tpu.memory_space<vmem_shared>> -> memref<10112x64xf32, #tpu.memory_space<vmem_shared>>
    tpu.wait_indirect_dma semaphore(%arg22 : memref<!tpu.dma_semaphore, #tpu.memory_space<semaphore_mem>>) src(%dma_wait3A_130 : memref<128x64xf32, #tpu.memory_space<vmem>>) dst(%dma_wait3A_136 : memref<10112x64xf32, #tpu.memory_space<vmem_shared>>)
    %eq3A_137 = arith.constant 0 : i32
    %eq3A_138 = arith.cmpi eq, %arg0, %eq3A_137 : i32
    %convert_element_type3A_139 = arith.extui %eq3A_138 : i1 to i32
    %cond3A_140 = arith.constant 0 : i32
    %cond3A_141 = arith.cmpi ne, %convert_element_type3A_139, %cond3A_140 : i32
    scf.if %cond3A_141 {
      %dma_wait3A_152 = arith.constant 0 : i32
      %dma_wait3A_153 = arith.constant 0 : i32
      %dma_wait3A_154 = arith.constant 0 : i32
      %dma_wait3A_155 = tpu.memref_slice %arg11[%dma_wait3A_152, %dma_wait3A_153, %dma_wait3A_154] : memref<2x8x128xi32, #tpu.memory_space<vmem>> -> memref<1x1x128xi32, #tpu.memory_space<vmem>>
      %dma_wait3A_156 = tpu.memref_squeeze %dma_wait3A_155 : memref<1x1x128xi32, #tpu.memory_space<vmem>> -> memref<128xi32, #tpu.memory_space<vmem>>
      %dma_wait3A_157 = arith.constant 0 : i32
      %dma_wait3A_158 = arith.constant 0 : i32
      %dma_wait3A_159 = tpu.memref_slice %arg14[%dma_wait3A_157, %dma_wait3A_158] : memref<10112x16xf32, #tpu.memory_space<vmem_shared>> -> memref<10112x16xf32, #tpu.memory_space<vmem_shared>>
      tpu.wait_indirect_dma semaphore(%arg23 : memref<!tpu.dma_semaphore, #tpu.memory_space<semaphore_mem>>) src(%arg9 : memref<128x16xf32, #tpu.memory_space<vmem>>) dst(%dma_wait3A_159 : memref<10112x16xf32, #tpu.memory_space<vmem_shared>>)
      %dma_wait3A_160 = arith.constant 0 : i32
      %dma_wait3A_161 = arith.constant 0 : i32
      %dma_wait3A_162 = arith.constant 0 : i32
      %dma_wait3A_163 = tpu.memref_slice %arg11[%dma_wait3A_160, %dma_wait3A_161, %dma_wait3A_162] : memref<2x8x128xi32, #tpu.memory_space<vmem>> -> memref<1x1x128xi32, #tpu.memory_space<vmem>>
      %dma_wait3A_164 = tpu.memref_squeeze %dma_wait3A_163 : memref<1x1x128xi32, #tpu.memory_space<vmem>> -> memref<128xi32, #tpu.memory_space<vmem>>
      %dma_wait3A_165 = arith.constant 0 : i32
      %dma_wait3A_166 = arith.constant 0 : i32
      %dma_wait3A_167 = tpu.memref_slice %arg14[%dma_wait3A_165, %dma_wait3A_166] : memref<10112x16xf32, #tpu.memory_space<vmem_shared>> -> memref<10112x16xf32, #tpu.memory_space<vmem_shared>>
      tpu.wait_indirect_dma semaphore(%arg24 : memref<!tpu.dma_semaphore, #tpu.memory_space<semaphore_mem>>) src(%arg9 : memref<128x16xf32, #tpu.memory_space<vmem>>) dst(%dma_wait3A_167 : memref<10112x16xf32, #tpu.memory_space<vmem_shared>>)
    } else {
    }
    %barrier3A_142 = arith.constant 0 : index
    tpu.barrier barrier_id(%barrier3A_142)
    %mul3A_143 = arith.constant 632 : i32
    %mul3A_144 = arith.muli %arg1, %mul3A_143 : i32
    %mul3A_145 = arith.constant 632 : i32
    %mul3A_146 = arith.muli %arg1, %mul3A_145 : i32
    "tpu.region"() ({
      %run_scoped3A = tpu.sem_alloc : memref<!tpu.dma_semaphore, #tpu.memory_space<semaphore_mem>>
      %dma_start3A_152 = arith.constant 0 : i32
      %dma_start3A_153 = tpu.memref_slice %arg6[%arg0, %mul3A_146, %dma_start3A_152] : memref<2x10112x64xf32, #tpu.memory_space<hbm>> -> memref<1x632x64xf32, #tpu.memory_space<hbm>>
      %dma_start3A_154 = tpu.memref_squeeze %dma_start3A_153 : memref<1x632x64xf32, #tpu.memory_space<hbm>> -> memref<632x64xf32, #tpu.memory_space<hbm>>
      %dma_start3A_155 = arith.constant 0 : i32
      %dma_start3A_156 = tpu.memref_slice %arg13[%mul3A_144, %dma_start3A_155] : memref<10112x64xf32, #tpu.memory_space<vmem_shared>> -> memref<632x64xf32, #tpu.memory_space<vmem_shared>>
      tpu.enqueue_dma source(%dma_start3A_156 : memref<632x64xf32, #tpu.memory_space<vmem_shared>>) target(%dma_start3A_154 : memref<632x64xf32, #tpu.memory_space<hbm>>) target_semaphore(%run_scoped3A : memref<!tpu.dma_semaphore, #tpu.memory_space<semaphore_mem>>)
      %dma_wait3A_157 = arith.constant 0 : i32
      %dma_wait3A_158 = tpu.memref_slice %arg6[%arg0, %mul3A_146, %dma_wait3A_157] : memref<2x10112x64xf32, #tpu.memory_space<hbm>> -> memref<1x632x64xf32, #tpu.memory_space<hbm>>
      %dma_wait3A_159 = tpu.memref_squeeze %dma_wait3A_158 : memref<1x632x64xf32, #tpu.memory_space<hbm>> -> memref<632x64xf32, #tpu.memory_space<hbm>>
      %dma_wait3A_160 = arith.constant 0 : i32
      %dma_wait3A_161 = tpu.memref_slice %arg13[%mul3A_144, %dma_wait3A_160] : memref<10112x64xf32, #tpu.memory_space<vmem_shared>> -> memref<632x64xf32, #tpu.memory_space<vmem_shared>>
      tpu.wait_dma2 semaphore(%run_scoped3A : memref<!tpu.dma_semaphore, #tpu.memory_space<semaphore_mem>>) src(%dma_wait3A_161 : memref<632x64xf32, #tpu.memory_space<vmem_shared>>) dst(%dma_wait3A_159 : memref<632x64xf32, #tpu.memory_space<hbm>>)
      tpu.yield
    }) : () -> ()
    %eq3A_147 = arith.constant 0 : i32
    %eq3A_148 = arith.cmpi eq, %arg0, %eq3A_147 : i32
    %convert_element_type3A_149 = arith.extui %eq3A_148 : i1 to i32
    %cond3A_150 = arith.constant 0 : i32
    %cond3A_151 = arith.cmpi ne, %convert_element_type3A_149, %cond3A_150 : i32
    scf.if %cond3A_151 {
      %mul3A_152 = arith.constant 632 : i32
      %mul3A_153 = arith.muli %arg1, %mul3A_152 : i32
      %mul3A_154 = arith.constant 632 : i32
      %mul3A_155 = arith.muli %arg1, %mul3A_154 : i32
      "tpu.region"() ({
        %run_scoped3A = tpu.sem_alloc : memref<!tpu.dma_semaphore, #tpu.memory_space<semaphore_mem>>
        %dma_start3A_156 = arith.constant 0 : i32
        %dma_start3A_157 = tpu.memref_slice %arg7[%mul3A_155, %dma_start3A_156] : memref<10112x16xf32, #tpu.memory_space<hbm>> -> memref<632x16xf32, #tpu.memory_space<hbm>>
        %dma_start3A_158 = arith.constant 0 : i32
        %dma_start3A_159 = tpu.memref_slice %arg14[%mul3A_153, %dma_start3A_158] : memref<10112x16xf32, #tpu.memory_space<vmem_shared>> -> memref<632x16xf32, #tpu.memory_space<vmem_shared>>
        tpu.enqueue_dma source(%dma_start3A_159 : memref<632x16xf32, #tpu.memory_space<vmem_shared>>) target(%dma_start3A_157 : memref<632x16xf32, #tpu.memory_space<hbm>>) target_semaphore(%run_scoped3A : memref<!tpu.dma_semaphore, #tpu.memory_space<semaphore_mem>>)
        %dma_wait3A_160 = arith.constant 0 : i32
        %dma_wait3A_161 = tpu.memref_slice %arg7[%mul3A_155, %dma_wait3A_160] : memref<10112x16xf32, #tpu.memory_space<hbm>> -> memref<632x16xf32, #tpu.memory_space<hbm>>
        %dma_wait3A_162 = arith.constant 0 : i32
        %dma_wait3A_163 = tpu.memref_slice %arg14[%mul3A_153, %dma_wait3A_162] : memref<10112x16xf32, #tpu.memory_space<vmem_shared>> -> memref<632x16xf32, #tpu.memory_space<vmem_shared>>
        tpu.wait_dma2 semaphore(%run_scoped3A : memref<!tpu.dma_semaphore, #tpu.memory_space<semaphore_mem>>) src(%dma_wait3A_163 : memref<632x16xf32, #tpu.memory_space<vmem_shared>>) dst(%dma_wait3A_161 : memref<632x16xf32, #tpu.memory_space<hbm>>)
        tpu.yield
      }) : () -> ()
    } else {
    }
    return
  }
}

module attributes {stable_mosaic.version = 14 : i64} {
  func.func @_combine_body(%arg0: i32, %arg1: memref<2x400x64xf32, #tpu.memory_space<vmem>>, %arg2: memref<400x16xf32, #tpu.memory_space<vmem>>, %arg3: memref<400x128xf32, #tpu.memory_space<vmem>>) attributes {dimension_semantics = [#tpu.dimension_semantics<arbitrary>], iteration_bounds = array<i64: 25>, scalar_prefetch = 0 : i64, scratch_operands = 0 : i64, tpu.core_type = #tpu.core_type<tc>, window_params = [{transform_indices = @transform_0, window_bounds = array<i64: 2, 400, 64>}, {transform_indices = @transform_1, window_bounds = array<i64: 400, 16>}, {transform_indices = @transform_2, window_bounds = array<i64: 400, 128>}]} {
    %get3A = arith.constant 0 : index
    %get3A_0 = arith.constant 0 : index
    %get3A_1 = vector.load %arg2[%get3A, %get3A_0] : memref<400x16xf32, #tpu.memory_space<vmem>>, vector<400x16xf32>
    %reduce_sum3A = arith.constant dense<0.000000e+00> : vector<400xf32>
    %reduce_sum3A_2 = vector.multi_reduction <add>, %get3A_1, %reduce_sum3A [1] : vector<400x16xf32> to vector<400xf32>
    %mul3A = arith.constant 6.250000e-02 : f32
    %mul3A_3 = vector.broadcast %mul3A : f32 to vector<400xf32>
    %mul3A_4 = arith.mulf %reduce_sum3A_2, %mul3A_3 : vector<400xf32>
    %max3A = arith.constant 1.000000e+00 : f32
    %max3A_5 = vector.broadcast %max3A : f32 to vector<400xf32>
    %max3A_6 = arith.maximumf %mul3A_4, %max3A_5 : vector<400xf32>
    %reshape3A = vector.shape_cast %max3A_6 : vector<400xf32> to vector<400x1xf32>
    %get3A_7 = arith.constant 0 : index
    %get3A_8 = arith.constant 0 : index
    %get3A_9 = arith.constant 0 : index
    %get3A_10 = vector.load %arg1[%get3A_7, %get3A_8, %get3A_9] : memref<2x400x64xf32, #tpu.memory_space<vmem>>, vector<1x400x64xf32>
    %get3A_11 = vector.shape_cast %get3A_10 : vector<1x400x64xf32> to vector<400x64xf32>
    %div3A = vector.broadcast %reshape3A : vector<400x1xf32> to vector<400x64xf32>
    %div3A_12 = arith.divf %get3A_11, %div3A : vector<400x64xf32>
    %swap3A = arith.constant 0 : index
    %swap3A_13 = arith.constant 0 : index
    %swap3A_14 = vector.load %arg3[%swap3A, %swap3A_13] : memref<400x128xf32, #tpu.memory_space<vmem>>, vector<400x64xf32>
    tpu.vector_store %arg3[%swap3A, %swap3A_13], %div3A_12 {strides = array<i32>} : memref<400x128xf32, #tpu.memory_space<vmem>>, vector<400x64xf32>,
    %get3A_15 = arith.constant 1 : index
    %get3A_16 = arith.constant 0 : index
    %get3A_17 = arith.constant 0 : index
    %get3A_18 = vector.load %arg1[%get3A_15, %get3A_16, %get3A_17] : memref<2x400x64xf32, #tpu.memory_space<vmem>>, vector<1x400x64xf32>
    %get3A_19 = vector.shape_cast %get3A_18 : vector<1x400x64xf32> to vector<400x64xf32>
    %div3A_20 = vector.broadcast %reshape3A : vector<400x1xf32> to vector<400x64xf32>
    %div3A_21 = arith.divf %get3A_19, %div3A_20 : vector<400x64xf32>
    %swap3A_22 = arith.constant 0 : index
    %swap3A_23 = arith.constant 64 : index
    %swap3A_24 = vector.load %arg3[%swap3A_22, %swap3A_23] : memref<400x128xf32, #tpu.memory_space<vmem>>, vector<400x64xf32>
    tpu.vector_store %arg3[%swap3A_22, %swap3A_23], %div3A_21 {strides = array<i32>} : memref<400x128xf32, #tpu.memory_space<vmem>>, vector<400x64xf32>,
    return
  }
  func.func @transform_0(%arg0: i32) -> (i32, i32, i32) {
    %c0_i32 = arith.constant 0 : i32
    %c0_i32_0 = arith.constant 0 : i32
    %c0_i32_1 = arith.constant 0 : i32
    return %c0_i32, %arg0, %c0_i32_0 : i32, i32, i32
  }
  func.func @transform_1(%arg0: i32) -> (i32, i32) {
    %c0_i32 = arith.constant 0 : i32
    %c0_i32_0 = arith.constant 0 : i32
    return %arg0, %c0_i32 : i32, i32
  }
  func.func @transform_2(%arg0: i32) -> (i32, i32) {
    %c0_i32 = arith.constant 0 : i32
    %c0_i32_0 = arith.constant 0 : i32
    return %arg0, %c0_i32 : i32, i32
  }
}

</mosaic_0001>

<sc_bundles>
// kernel: kernel.4.cloned.1.call-start
scs
__scs_entry_jumppad:
0x0: {  	(pc) =	sbr.rel $0x88, $3  }
0x1: {  	(tag) =	ssettag $0x0;
	lr =	simm.s32 $0x1  }
0x2: {  	[smem:$0x3F9F] =	sst lr;
	_ =	strace $0xD0000000  }
0x3: {  	_ = 	snop  }
0x4: {  	_ = 	snop  }
0x5: {  	_ = 	snop  }
0x6: {  	_ = 	snop  }
0x7: {  	_ = 	snop  }
__scs_overlays_trampoline_lowered:
0x8: {  	[smem:$0x3FAE] =	sst s0  }
0x9: {  	[smem:$0x3FAF] =	sst s1  }
0xa: {  	[smem:$0x3FB0] =	sst s2  }
0xb: {  	[smem:$0x3FB1] =	sst s3  }
0xc: {  	[smem:$0x3FB2] =	sst s4  }
0xd: {  	[smem:$0x3FB3] =	sst s5  }
0xe: {  	[smem:$0x3FB4] =	sst s6  }
0xf: {  	[smem:$0x3FB5] =	sst s7  }
0x10: {  	[smem:$0x3FB6] =	sst s8  }
0x11: {  	[smem:$0x3FB7] =	sst s9;
	s0 =	simm.s32 @!p0 $0x0  }
0x12: {  	s1 =	sld [smem:$0x3F9D];
	s0 =	simm.s32 @p0 $0x1  }
0x13: {  	[smem:$0x3FB8] =	sst s0;
	s0 =	simm.s32 @!p1 $0x0  }
0x14: {  	s2 =	sld [smem:$0x3F9C];
	s0 =	simm.s32 @p1 $0x1  }
0x15: {  	[smem:$0x3FB9] =	sst s0;
	s0 =	simm.s32 @!p2 $0x0  }
0x16: {  	s3 =	sld [smem:$0x3FDB];
	s0 =	simm.s32 @p2 $0x1  }
0x17: {  	s4 =	simm.s32 $0x1BF5;
	[smem:$0x3FBB] =	sst s0  }
0x18: {  	s0 =	sld [smem:$0x3F9E];
	_ =	swait.ge [sflag:s4], $0x0  }
0x19: {  	s7 =	sld [smem:$0x3F9F]  }
0x1a: {  	s8 =	sadd.s32 $0xFFFFE003, lr  }
0x1b: {  	s9 =	sadd.s32 $0xFFFFFEF7, lr;
	s5 =	simm.s32 $0xFFFFFFFF;
	p2 =	slt.u32 s8, $0xFFFFF086  }
0x1c: {  	p1 =	slt.u32 s9, $0xF7A;
	s5 =	simm.s32 @!p2 $0x0  }
0x1d: {  	s5 =	simm.s32 @p1 $0x1;
	p0 =	seq.s32 s7, s2  }
0x1e: {  	s7 =	smul.u32 @!p0 $0xF7A, s2;
	p2 =	seq.s32 @!p0 s5, $0x0  }
0x1f: {  	s9 =	smul.u32 $0xF7A, s1;
	s8 =	simm.s32 @!p0 $0x1BF5;
	p2 =	por !p2, p0  }
0x20: {  	[sflag:s8] =	ssyncset.s32 @!p0 $0xFFFFF086;
	s6 =	sadd.s32 @!p0 s3, s7;
	s7 =	simm.s32 @!p0 $0x108  }
0x21: {  	s3 =	sadd.s32 s3, s9;
	s6 =	sadd.s32 @!p0 $0x88, s6;
	s7 =	simm.s32 @p2 $0x1082  }
0x22: {  	[simem:s7], [sflag:s8] =	dma.local @!p0 [hbm:s6], $0xF7A  }
0x23: {  	s9 =	sor.u32 $0xD0000000, s2;
	s6 =	simm.s32 $0x108;
	_ =	swait.ge @!p0 [sflag:s8], $0x0  }
0x24: {  	s3 =	sadd.s32 $0x88, s3;
	s6 =	simm.s32 @!p1 $0x1082;
	[sflag:s4] =	ssyncset.s32 $0xFFFFF086  }
0x25: {  	[simem:s6], [sflag:s4] =	dma.local [hbm:s3], $0xF7A  }
0x26: {  	[smem:$0x3F9F] =	sst s1;
	(tag) =	ssettag s2;
	_ =	strace s9  }
0x27: {  	s1 =	sld [smem:$0x3FAF]  }
0x28: {  	s2 =	sld [smem:$0x3FB0]  }
0x29: {  	s4 =	sld [smem:$0x3FB2]  }
0x2a: {  	p0 =	seq.s32 s5, $0x0;
	s5 =	sld [smem:$0x3FB3]  }
0x2b: {  	s6 =	sld [smem:$0x3FB4]  }
0x2c: {  	s7 =	sld [smem:$0x3FB5]  }
0x2d: {  	s3 =	simm.s32 $0x108;
	s8 =	sld [smem:$0x3FB6]  }
0x2e: {  	s3 =	simm.s32 @!p0 $0x1082;
	s9 =	sld [smem:$0x3FB7]  }
0x2f: {  	lr =	sadd.s32 s0, s3;
	s0 =	sld [smem:$0x3FAE]  }
0x30: {  	s3 =	sld [smem:$0x3FB1]  }
0x31: {  	[smem:$0x3FBA] =	sst s10  }
0x32: {  	s10 =	sld [smem:$0x3FB8];
	_ =	sdelay $0x3  }
0x33: {  	p0 =	seq.s32 s10, $0x1;
	s10 =	sld [smem:$0x3FBA];
	_ =	sdelay $0x3  }
0x34: {  	[smem:$0x3FBA] =	sst s10  }
0x35: {  	s10 =	sld [smem:$0x3FB9];
	_ =	sdelay $0x3  }
0x36: {  	p1 =	seq.s32 s10, $0x1;
	s10 =	sld [smem:$0x3FBA];
	_ =	sdelay $0x3  }
0x37: {  	[smem:$0x3FBA] =	sst s10  }
0x38: {  	s10 =	sld [smem:$0x3FBB]  }
0x39: {  	_ = 	snop;
	(pc) =	sbr.ind lr, $3  }
0x3a: {  	_ = 	snop  }
0x3b: {  	_ = 	snop  }
0x3c: {  	p2 =	seq.s32 s10, $0x1;
	s10 =	sld [smem:$0x3FBA]  }
0x3d: {  	_ =	shalt  }
0x3e: {  	_ =	shalt  }
0x3f: {  	_ =	shalt  }
0x40: {  	_ =	shalt  }
0x41: {  	_ =	shalt  }
0x42: {  	_ =	shalt  }
0x43: {  	_ =	shalt  }
0x44: {  	_ =	shalt  }
0x45: {  	_ =	shalt  }
0x46: {  	_ =	shalt  }
0x47: {  	_ =	shalt  }
0x48: {  	_ =	shalt  }
0x49: {  	_ =	shalt  }
0x4a: {  	_ =	shalt  }
0x4b: {  	_ =	shalt  }
0x4c: {  	_ =	shalt  }
0x4d: {  	_ =	shalt  }
0x4e: {  	_ =	shalt  }
0x4f: {  	_ =	shalt  }
0x50: {  	_ =	shalt  }
0x51: {  	_ =	shalt  }
0x52: {  	_ =	shalt  }
0x53: {  	_ =	shalt  }
0x54: {  	_ =	shalt  }
0x55: {  	_ =	shalt  }
0x56: {  	_ =	shalt  }
0x57: {  	_ =	shalt  }
0x58: {  	_ =	shalt  }
0x59: {  	_ =	shalt  }
0x5a: {  	_ =	shalt  }
0x5b: {  	_ =	shalt  }
0x5c: {  	_ =	shalt  }
0x5d: {  	_ =	shalt  }
0x5e: {  	_ =	shalt  }
0x5f: {  	_ =	shalt  }
0x60: {  	_ =	shalt  }
0x61: {  	_ =	shalt  }
0x62: {  	_ =	shalt  }
0x63: {  	_ =	shalt  }
0x64: {  	_ =	shalt  }
0x65: {  	_ =	shalt  }
0x66: {  	_ =	shalt  }
0x67: {  	_ =	shalt  }
0x68: {  	_ =	shalt  }
0x69: {  	_ =	shalt  }
0x6a: {  	_ =	shalt  }
0x6b: {  	_ =	shalt  }
0x6c: {  	_ =	shalt  }
0x6d: {  	_ =	shalt  }
0x6e: {  	_ =	shalt  }
0x6f: {  	_ =	shalt  }
0x70: {  	_ =	shalt  }
0x71: {  	_ =	shalt  }
0x72: {  	_ =	shalt  }
0x73: {  	_ =	shalt  }
0x74: {  	_ =	shalt  }
0x75: {  	_ =	shalt  }
0x76: {  	_ =	shalt  }
0x77: {  	_ =	shalt  }
0x78: {  	_ =	shalt  }
0x79: {  	_ =	shalt  }
0x7a: {  	_ =	shalt  }
0x7b: {  	_ =	shalt  }
0x7c: {  	_ =	shalt  }
0x7d: {  	_ =	shalt  }
0x7e: {  	_ =	shalt  }
0x7f: {  	_ =	shalt  }
0x80: {  	_ =	shalt  }
0x81: {  	_ =	shalt  }
0x82: {  	_ =	shalt  }
0x83: {  	_ =	shalt  }
0x84: {  	_ =	shalt  }
0x85: {  	_ =	shalt  }
0x86: {  	_ =	shalt  }
0x87: {  	_ =	shalt  }
.Lfunc_end0:
.L_simem_size_0:
called_computation_lowered:
.L_overlay_start_0:
0x88: {  	s2 =	sld [smem:$0x3FD9]  }
0x89: {  	s3 =	sld [smem:$0x3FFE];
	_ =	sdelay $0x1  }
0x8a: {  	s1 =	srdreg.scid  }
0x8b: {  	s0 =	sand.u32 $0x1, s1  }
0x8c: {  	s17 =	sshll.u32 s0, $0xA;
	s2 =	sadd.s32 s3, s2  }
0x8d: {  	s2 =	sadd.s32 s2, s17  }
0x8e: {  	[smem:$0x3FC6] =	sst s2  }
0x8f: {  	_ = 	snop  }
0x90: {  	s2 =	sld [smem:$0x3FD0];
	(tm) =	ssettm $0x1  }
0x91: {  	s18 =	sld [smem:$0x3FFB];
	_ =	sdelay $0x3  }
0x92: {  	_ =	strace s18  }
0x93: {  	s3 =	sld [smem:$0x3FFC];
	_ =	sdelay $0x3  }
0x94: {  	_ =	strace s3  }
0x95: {  	s3 =	sld [smem:$0x3FFD];
	_ =	sdelay $0x3  }
0x96: {  	_ =	strace s3  }
0x97: {  	_ =	strace $0x8FFFFFFF  }
0x98: {  	s19 =	sld [smem:$0x3FDB];
	_ =	sdelay $0x1  }
0x99: {  	s4 =	simm.s32 $_scs_section_size  }
0x9a: {  	s5 =	simm.s32 $_size__tile_overlayer_lowered;
	s6 =	simm.s32 $_tile_overlayer_lowered  }
0x9b: {  	s22 =	simm.s32 $0x1BFF;
	s21 =	sshll.u32 s6, $0x1;
	s3 =	sadd.s32 s4, s19  }
0x9c: {  	s7 =	simm.s32 $0x0;
	s20 =	sshll.u32 s5, $0x1;
	s5 =	sadd.s32 s21, s3  }
0x9d: {  	[timem:s7], [sflag:s22] =	dma.local [hbm:s5], s20  }
0x9e: {  	_ =	swait.ge [sflag:s22], s20  }
0x9f: {  	s4 =	ssub.s32 $0x0, s20;
	[sflag:s22] =	ssyncset.done $0x0  }
0xa0: {  	[sflag:s22] =	ssyncadd.s32 s4;
	_ =	sdelay $0x1  }
0xa1: {  	s23 =	simm.s32 $0x1B8B  }
0xa2: {  	_ =	swait.ge [sflag:s23], $0x1  }
0xa3: {  	[sflag:s23] =	ssyncset.done $0x0  }
0xa4: {  	s25 =	simm.s32 $0x1B8E;
	s24 =	sld [smem:$0x3FFE];
	[sflag:s23] =	ssyncadd.s32 $0xFFFFFFFF  }
0xa5: {  	s26 =	simm.s32 $execute0_lowered;
	[smem:$0x3FD2] =	sst s25  }
0xa6: {  	s5 =	sshll.u32 s26, $0x1;
	_ =	strace $0x80000046;
	[dreg:$0x1] =	wrdreg $0xFFFFFFFF  }
0xa7: {  	s28 =	simm.s32 $_size_execute0_lowered;
	s3 =	sadd.s32 s3, s5;
	[dreg:$0x0] =	wrdreg $0x0  }
0xa8: {  	s5 =	sshll.u32 s28, $0x1;
	[dreg:$0x2] =	wrdreg s3  }
0xa9: {  	[dreg:$0x3] =	wrdreg s5  }
0xaa: {  	[dreg:$0x4] =	wrdreg $0xC0  }
0xab: {  	_ =	task [dreg:s7], $0x5FFFF  }
0xac: {  	[dreg:$0x1] =	wrdreg $0xFFFFFFFF  }
0xad: {  	[dreg:$0x0] =	wrdreg $0x60  }
0xae: {  	[dreg:$0x2] =	wrdreg s24  }
0xaf: {  	[dreg:$0x3] =	wrdreg s2  }
0xb0: {  	[dreg:$0x4] =	wrdreg $0x98000  }
0xb1: {  	[dreg:$0x5] =	wrdreg $0x136000  }
0xb2: {  	[dreg:$0x6] =	wrdreg $0x1D4000  }
0xb3: {  	[dreg:$0x7] =	wrdreg $0x9  }
0xb4: {  	_ =	task.clear_ibuf [dreg:s7], $0x8FFFF;
	_ =	strace $0x90000046  }
0xb5: {  	s29 =	simm.s32 $0x9;
	_ =	strace $0x80000048  }
0xb6: {  	_ =	swait.ge [sflag:s29], $0x1  }
0xb7: {  	[sflag:s29] =	ssyncadd.s32 $0xFFFFFFFF  }
0xb8: {  	_ =	strace $0x90000048  }
0xb9: {  	_ =	sfence  }
0xba: {  	s30 =	sld [smem:$0x0];
	_ =	sdelay $0x2  }
0xbb: {  	s31 =	sshll.u32 s1, $0xD;
	s1 =	sshrl.u32 s1, $0x2  }
0xbc: {  	s3 =	sand.u32 $0x4000, s31;
	s1 =	sadd.s32 s1, s30  }
0xbd: {  	s0 =	sor.u32 s3, s0;
	s1 =	sshll.u32 s1, $0x11  }
0xbe: {  	s0 =	sor.u32 s1, s0  }
0xbf: {  	s0 =	sadd.s32 $0x8F2B, s0  }
0xc0: {  	[sflag:s0] =	ssyncadd.remote.s32 $0x1  }
0xc1: {  	_ =	sfence.sel $0xFFFF  }
0xc2: {  	[dreg:$0x0] =	wrdreg $0xFFFFFFFF;
	(pc) =	sbr.abs _section_cstart, $3  }
0xc3: {  	[dreg:$0x1] =	wrdreg $0xFFFFFFFF  }
0xc4: {  	_ =	task.clear_ibuf [dreg:s7], $0x2FFFF;
	_ =	strace $0x9FFFFFFF  }
0xc5: {  	(tm) =	ssettm $0x7FFFFFFF  }
tec
execute0_lowered:
.L_overlay_start_1:
0x0: {  	(tag) =	ssettag $0x1  }
0x1: {  	s0 =	rddreg [dreg:$0x0]  }
0x2: {  	s4 =	rddreg [dreg:$0x1]  }
0x3: {  	s1 =	rddreg [dreg:$0x2]  }
0x4: {  	s2 =	rddreg [dreg:$0x3]  }
0x5: {  	s3 =	rddreg [dreg:$0x4]  }
0x6: {  	s5 =	srdreg.scid;
	s15 =	stileid.u32  }
0x7: {  	s28 =	simm.s32 $0x2000;
	s29 =	simm.s32 $0x1;
	s8 =	smul.u32 $0x9E00, s15  }
0x8: {  	s30 =	simm.s32 $0x8000;
	s31 =	simm.s32 $0x4000;
	s9 =	smul.u32 $0x2780, s15  }
0x9: {  	s6 =	sand.u32 $0x1, s5;
	s5 =	simm.s32 $0x0;
	s13 =	smul.u32 $0x5000, s15  }
0xa: {  	s10 =	sadd.s32 $0x27E00, s0;
	s11 =	sadd.s32 $0x31E00, s0;
	s23 =	smul.u32 $0xA00, s15  }
0xb: {  	s21 =	sshll.u32 s15, $0x6;
	s7 =	smul.u32 $0x9E000, s6;
	[smem:$0x7FF] =	sst s5  }
0xc: {  	s12 =	ssub.s32 $0x2, s6;
	p0 =	sne.s32 s6, $0x0;
	p1 =	seq.s32 s6, $0x0  }
0xd: {  	_ =	strace $0x80000047;
	[dreg:$0x6] =	wrdreg s11;
	s19 =	sshrl.u32 s9, $0x3  }
0xe: {  	s20 =	sshrl.u32 s12, $0x1;
	s14 =	sadd.s32 s8, s1;
	s17 =	sadd.s32 s8, s2  }
0xf: {  	s22 =	sshrl.u32 s13, $0x3;
	s24 =	sadd.s32 s23, s10;
	s7 =	sadd.s32 s8, s7  }
0x10: {  	s11 =	ssub.s32 s12, s20;
	s8 =	sshrl.u32 s8, $0x2;
	s13 =	sadd.s32 s4, s22  }
0x11: {  	s12 =	sadd.s32 s10, s22;
	s4 =	sadd.s32 s23, s4;
	s26 =	sshrl.u32 s14, $0x3  }
0x12: {  	s10 =	simm.s32 $0x6;
	s20 =	simm.s32 $0x9;
	[dreg:$0x9] =	wrdreg s17  }
0x13: {  	s7 =	sshrl.u32 s7, $0x3;
	s8 =	sadd.s32 s8, s3;
	[dreg:$0xa] =	wrdreg s13  }
0x14: {  	[dreg:$0xb] =	wrdreg s12;
	s25 =	smax.u32 s11, $0x1;
	s4 =	sadd.s32 $0x80, s4  }
0x15: {  	[dreg:$0x11] =	wrdreg s26;
	s26 =	simm.s32 $0x5;
	s11 =	simm.s32 $0x7  }
0x16: {  	s13 =	simm.s32 $0x8;
	s7 =	sadd.s32 s7, s0;
	[dreg:$0xe] =	wrdreg s25  }
0x17: {  	s0 =	sadd.s32 s19, s0;
	[dreg:$0x10] =	wrdreg s4;
	s4 =	sshrl.u32 @!p0 s8, $0x3  }
0x18: {  	s16 =	sadd.s32 $0x600, s7;
	s7 =	sadd.s32 $0x33200, s7;
	[dreg:$0x12] =	wrdreg s4  }
0x19: {  	s0 =	sadd.s32 $0x5AA00, s0;
	s4 =	simm.s32 $0x6000;
	[dreg:$0x7] =	wrdreg s16  }
.Ltmp0:
0x1a: {  	s16 =	sor.u32 $0x1C0D, s21;
	[dreg:$0xc] =	wrdreg s7;
	(pc) =	sbr.rel .LBB2_1-.Ltmp0, $4  }
0x1b: {  	[dreg:$0xd] =	wrdreg s0;
	s0 =	sadd.s32 s9, s3;
	s7 =	sadd.s32 $0x80, s24  }
0x1c: {  	s24 =	simm.s32 $0x80;
	s21 =	simm.s32 $0x3;
	[dreg:$0xf] =	wrdreg s7  }
0x1d: {  	s9 =	simm.s32 $0x0;
	s0 =	sshrl.u32 @!p0 s0, $0x3;
	[dreg:$0x8] =	wrdreg s16  }
0x1e: {  	v0 =	vimm.f32 $1.000000000e+00;
	s7 =	simm.s32 $0x4;
	[dreg:$0x13] =	wrdreg s0;
	s0 =	simm.s32 $0x2  }
.LBB2_16:
0x1f: {  	[spmem:s2] =	stream.indirect.scatter.add.f32 [tilespmem:s4], [sflag:$0x8], $0x40, s8, s24, $0xb8;
	[tilespmem:$0x1FB80] =	vst v63  }
0x20: {  	_ =	swait.ge [sflag:s11], $0x2000  }
0x21: {  	[sflag:s11] =	ssyncset.done $0x0  }
0x22: {  	[sflag:s11] =	ssyncadd.s32 $0xFFFFE000  }
0x23: {  	_ =	swait.ge [sflag:s13], $0x2000  }
0x24: {  	[sflag:s13] =	ssyncset.done $0x0  }
0x25: {  	[sflag:s13] =	ssyncadd.s32 $0xFFFFE000  }
0x26: {  	[bflag:$0x0] =	sbarrier.arrive @p0 $0xFFFF  }
0x27: {  	s17 =	rddreg [dreg:$0x9]  }
0x28: {  	s16 =	rddreg [dreg:$0x8]  }
0x29: {  	s9 =	rddreg [dreg:$0xc];
	s8 =	sshrl.u32 @p0 s17, $0x3  }
0x2a: {  	[hbm:s9], [sflag:s16] =	dma.local @p0 [spmem:s8], $0x13C0  }
0x2b: {  	s8 =	simm.s32 @p0 $0xD  }
0x2c: {  	_ =	swait.ge @p0 [sflag:s8], $0x13C0  }
0x2d: {  	[sflag:s8] =	ssyncset.done @p0 $0x0  }
0x2e: {  	[sflag:s8] =	ssyncadd.s32 @p0 $0xFFFFEC40  }
0x2f: {  	_ =	swait.ge @!p0 [sflag:s23], $0x800  }
0x30: {  	[sflag:s23] =	ssyncset.done @!p0 $0x0  }
0x31: {  	[sflag:s23] =	ssyncadd.s32 @!p0 $0xFFFFF800  }
0x32: {  	_ =	swait.ge @!p0 [sflag:s6], $0x800  }
0x33: {  	[sflag:s6] =	ssyncset.done @!p0 $0x0  }
0x34: {  	[sflag:s6] =	ssyncadd.s32 @!p0 $0xFFFFF800  }
0x35: {  	s6 =	sshrl.u32 @!p0 s17, $0x3;
	[bflag:$0x0] =	sbarrier.arrive @!p0 $0xFFFF  }
0x36: {  	[hbm:s9], [sflag:s16] =	dma.local @!p0 [spmem:s6], $0x13C0  }
0x37: {  	s6 =	simm.s32 @!p0 $0xD  }
0x38: {  	_ =	swait.ge @!p0 [sflag:s6], $0x13C0  }
0x39: {  	[sflag:s6] =	ssyncset.done @!p0 $0x0;
	s8 =	rddreg [dreg:$0xd]  }
0x3a: {  	s9 =	rddreg [dreg:$0x13];
	[sflag:s6] =	ssyncadd.s32 @!p0 $0xFFFFEC40  }
0x3b: {  	[hbm:s8], [sflag:s16] =	dma.local @!p0 [spmem:s9], $0x4F0  }
0x3c: {  	_ =	swait.ge @!p0 [sflag:s6], $0x4F0  }
0x3d: {  	s23 =	rddreg [dreg:$0x14]  }
0x3e: {  	s25 =	rddreg [dreg:$0xe];
	s9 =	sadd.s32 $0x1, s23  }
0x3f: {  	p2 =	sne.s32 s9, s25  }
.Ltmp1:
0x40: {  	_ = 	snop;
	(pc) =	sbr.rel @!p2 .LBB2_17-.Ltmp1, $3  }
0x41: {  	_ =	sdelay $0x1  }
0x42: {  	[sflag:s6] =	ssyncset.done @!p0 $0x0  }
0x43: {  	[sflag:s6] =	ssyncadd.s32 @!p0 $0xFFFFFB10  }
.LBB2_1:
0x44: {  	[dreg:$0x14] =	wrdreg s9  }
0x45: {  	s6 =	rddreg [dreg:$0x7]  }
0x46: {  	s8 =	rddreg [dreg:$0x11];
	s23 =	simm.s32 $0xD  }
0x47: {  	[spmem:s8], [sflag:s16] =	dma.local [hbm:s6], $0x13C0  }
0x48: {  	_ =	swait.ge [sflag:s23], $0x13C0  }
0x49: {  	[sflag:s23] =	ssyncset.done $0x0  }
0x4a: {  	s25 =	sshrl.u32 s17, $0x3;
	s12 =	rddreg [dreg:$0x6];
	[sflag:s23] =	ssyncadd.s32 $0xFFFFEC40  }
0x4b: {  	[spmem:s25], [sflag:s16] =	dma.local [hbm:s12], $0x13C0  }
0x4c: {  	_ =	swait.ge [sflag:s23], $0x13C0  }
0x4d: {  	s9 =	simm.s32 @!p0 $0x8;
	s6 =	simm.s32 @!p0 $0x1;
	[sflag:s23] =	ssyncset.done $0x0  }
0x4e: {  	s8 =	simm.s32 @!p0 $0x2;
	s14 =	rddreg [dreg:$0x12];
	[sflag:s23] =	ssyncadd.s32 $0xFFFFEC40  }
0x4f: {  	[spmem:s14@s8], [sflag:s16] =	dma.strided @!p0 [hbm:s12@s9], $0x4F0, s6, $0x2   }
0x50: {  	s6 =	simm.s32 @!p0 $0xD  }
0x51: {  	_ =	swait.ge @!p0 [sflag:s6], $0x4F0  }
0x52: {  	[sflag:s6] =	ssyncset.done @!p0 $0x0  }
0x53: {  	s8 =	simm.s32 $0x0;
	[sflag:s6] =	ssyncadd.s32 @!p0 $0xFFFFFB10;
	s6 =	simm.s32 $0x40  }
.LBB2_2:
0x54: {  	p2 =	sne.s32 s6, $0x1FC0;
	[tilespmem:s8+$0x8000] =	vst v0;
	s8 =	smov.u32 s6;
	s6 =	sadd.s32 $0x40, s6  }
.Ltmp2:
0x55: {  	(pc) =	sbr.rel @p2 .LBB2_2-.Ltmp2, $2  }
0x56: {  	_ =	sdelay $0x2  }
0x57: {  	s8 =	sshra.s32 s8, $0x2  }
0x58: {  	[tilespmem:s8+$0x8000] =	vst v0  }
0x59: {  	[bflag:$0x0] =	sbarrier.arrive $0xFFFF  }
0x5a: {  	s15 =	simm.s32 $0x0;
	s18 =	simm.s32 $0x8800;
	s6 =	rddreg [dreg:$0xa]  }
0x5b: {  	[tilespmem:s18], [sflag:$0xB] =	stream.linear.gather [hbm4b:s6+s15], $0x400, $0x38;
	[tilespmem:$0x1FB80] =	vst v63  }
0x5c: {  	s9 =	simm.s32 $0x9000;
	s22 =	simm.s32 $0xB;
	s19 =	rddreg [dreg:$0xb]  }
0x5d: {  	[tilespmem:s9], [sflag:$0xC] =	stream.linear.gather [hbm4b:s19+s15], $0x400, $0x38;
	[tilespmem:$0x1FB80] =	vst v63  }
0x5e: {  	_ =	swait.ge [sflag:s22], $0x400  }
0x5f: {  	[sflag:s22] =	ssyncset.done $0x0  }
0x60: {  	s23 =	simm.s32 $0xC;
	[sflag:s22] =	ssyncadd.s32 $0xFFFFFC00  }
0x61: {  	_ =	swait.ge [sflag:s23], $0x400  }
0x62: {  	[sflag:s23] =	ssyncset.done $0x0  }
0x63: {  	s16 =	rddreg [dreg:$0x10];
	[sflag:s23] =	ssyncadd.s32 $0xFFFFFC00  }
0x64: {  	[tilespmem:s15], [sflag:$0x1] =	stream.indirect.gather [spmem:s1], $0x40, s18, s24, $0xb8;
	[tilespmem:$0x1FB80] =	vst v63  }
0x65: {  	s25 =	simm.s32 $0x8880;
	s19 =	rddreg [dreg:$0xf]  }
0x66: {  	[tilespmem:s28], [sflag:$0x2] =	stream.indirect.gather [spmem:s1], $0x40, s25, s24, $0xb8;
	[tilespmem:$0x1FB80] =	vst v63  }
.LBB2_4:
0x67: {  	p2 =	sne.s32 s15, $0x0  }
.Ltmp3:
0x68: {  	_ = 	snop;
	(pc) =	sbr.rel @!p2 .LBB2_5-.Ltmp3, $4  }
0x69: {  	_ = 	snop  }
0x6a: {  	_ =	swait.ge [sflag:s29], $0x2000  }
0x6b: {  	[sflag:s29] =	ssyncset.done $0x0  }
0x6c: {  	s6 =	sand.u32 $0x1, s15;
	[sflag:s29] =	ssyncadd.s32 $0xFFFFE000  }
.Ltmp4:
0x6d: {  	(pc) =	sbr.rel @p0 .LBB2_9-.Ltmp4, $4  }
0x6e: {  	_ = 	snop  }
0x6f: {  	_ =	swait.ge [sflag:s11], $0x2000  }
0x70: {  	[sflag:s11] =	ssyncset.done $0x0  }
0x71: {  	[sflag:s11] =	ssyncadd.s32 $0xFFFFE000  }
.Ltmp5:
0x72: {  	(pc) =	sbr.rel .LBB2_8-.Ltmp5, $4  }
0x73: {  	_ = 	snop  }
0x74: {  	_ =	swait.ge [sflag:s20], $0x800  }
0x75: {  	[sflag:s20] =	ssyncset.done $0x0  }
0x76: {  	[sflag:s20] =	ssyncadd.s32 $0xFFFFF800  }
.LBB2_5:
.Ltmp6:
0x77: {  	(pc) =	sbr.rel @!p1 .LBB2_9-.Ltmp6, $1  }
0x78: {  	_ =	sdelay $0x3  }
.LBB2_8:
0x79: {  	s8 =	sshll.u32 s6, $0xA  }
0x7a: {  	s8 =	sor.u32 $0x9000, s8  }
0x7b: {  	[spmem:s3] =	stream.indirect.scatter.add.f32 [tilespmem:s30], [sflag:$0x9], $0x10, s8, s24, $0xb8;
	[tilespmem:$0x1FB80] =	vst v63  }
.LBB2_9:
0x7c: {  	s22 =	sshll.u32 s6, $0xA  }
0x7d: {  	s8 =	sor.u32 $0x8900, s22  }
0x7e: {  	[tilespmem:s31], [sflag:$0x3] =	stream.indirect.gather [spmem:s1], $0x40, s8, s24, $0xb8;
	[tilespmem:$0x1FB80] =	vst v63  }
.Ltmp7:
0x7f: {  	s25 =	sor.u32 $0x9000, s22;
	(pc) =	sbr.rel @!p2 .LBB2_10-.Ltmp7, $4  }
0x80: {  	[spmem:s2] =	stream.indirect.scatter.add.f32 [tilespmem:s5], [sflag:$0x5], $0x40, s25, s24, $0xb8;
	[tilespmem:$0x1FB80] =	vst v63  }
0x81: {  	_ =	swait.ge [sflag:s0], $0x2000  }
0x82: {  	[sflag:s0] =	ssyncset.done $0x0  }
0x83: {  	s25 =	sxor.u32 $0x1, s6;
	s6 =	sor.u32 $0x100, s22;
	[sflag:s0] =	ssyncadd.s32 $0xFFFFE000  }
.Ltmp8:
0x84: {  	(pc) =	sbr.rel @p0 .LBB2_14-.Ltmp8, $4  }
0x85: {  	_ = 	snop  }
0x86: {  	_ =	swait.ge [sflag:s13], $0x2000  }
0x87: {  	[sflag:s13] =	ssyncset.done $0x0  }
0x88: {  	[sflag:s13] =	ssyncadd.s32 $0xFFFFE000  }
.Ltmp9:
0x89: {  	(pc) =	sbr.rel .LBB2_13-.Ltmp9, $4  }
0x8a: {  	s8 =	simm.s32 $0xA  }
0x8b: {  	_ =	swait.ge [sflag:s8], $0x800  }
0x8c: {  	[sflag:s8] =	ssyncset.done $0x0  }
0x8d: {  	[sflag:s8] =	ssyncadd.s32 $0xFFFFF800  }
.LBB2_10:
.Ltmp10:
0x8e: {  	(pc) =	sbr.rel @!p1 .LBB2_14-.Ltmp10, $1  }
0x8f: {  	_ =	sdelay $0x3  }
.LBB2_13:
0x90: {  	s8 =	sadd.s32 $0x9080, s22  }
0x91: {  	[spmem:s3] =	stream.indirect.scatter.add.f32 [tilespmem:s30], [sflag:$0xA], $0x10, s8, s24, $0xb8;
	[tilespmem:$0x1FB80] =	vst v63  }
.LBB2_14:
0x92: {  	s8 =	sor.u32 $0x8980, s22  }
0x93: {  	[tilespmem:s4], [sflag:$0x4] =	stream.indirect.gather [spmem:s1], $0x40, s8, s24, $0xb8;
	[tilespmem:$0x1FB80] =	vst v63  }
0x94: {  	s12 =	sadd.s32 $0x9080, s22  }
0x95: {  	[spmem:s2] =	stream.indirect.scatter.add.f32 [tilespmem:s28], [sflag:$0x6], $0x40, s12, s24, $0xb8;
	[tilespmem:$0x1FB80] =	vst v63  }
0x96: {  	_ =	swait.ge [sflag:s21], $0x2000  }
0x97: {  	[sflag:s21] =	ssyncset.done $0x0  }
0x98: {  	[sflag:s21] =	ssyncadd.s32 $0xFFFFE000  }
0x99: {  	_ =	swait.ge [sflag:s26], $0x2000  }
0x9a: {  	[sflag:s26] =	ssyncset.done $0x0  }
0x9b: {  	s23 =	simm.s32 @!p0 $0x9;
	[sflag:s26] =	ssyncadd.s32 $0xFFFFE000  }
0x9c: {  	s9 =	simm.s32 @!p0 $0x8000;
	_ =	swait.ge @!p0 [sflag:s23], $0x800  }
0x9d: {  	p2 =	seq.s32 s15, $0x13;
	s8 =	sor.u32 @!p0 $0x9000, s6;
	[sflag:s23] =	ssyncset.done @!p0 $0x0  }
0x9e: {  	s17 =	sshll.u32 @!p2 s25, $0xA;
	s12 =	simm.s32 @!p0 $0x80;
	[sflag:s23] =	ssyncadd.s32 @!p0 $0xFFFFF800  }
0x9f: {  	[spmem:s3] =	stream.indirect.scatter.add.f32 @!p0 [tilespmem:s9], [sflag:$0x9], $0x10, s8, s12, $0xb8;
	[tilespmem:$0x1FB80] =	vst v63  }
0xa0: {  	s18 =	sor.u32 @!p2 $0x8800, s17;
	s8 =	simm.s32 @!p2 $0x0  }
0xa1: {  	[tilespmem:s18], [sflag:$0xB] =	stream.linear.gather @!p2 [hbm4b:s16+s8], $0x400, $0x38;
	[tilespmem:$0x1FB80] =	vst v63  }
0xa2: {  	s17 =	sor.u32 @!p2 $0x9000, s17  }
0xa3: {  	[tilespmem:s17], [sflag:$0xC] =	stream.linear.gather @!p2 [hbm4b:s19+s8], $0x400, $0x38;
	[tilespmem:$0x1FB80] =	vst v63  }
0xa4: {  	s14 =	sor.u32 $0x8A00, s22  }
0xa5: {  	[tilespmem:s5], [sflag:$0x1] =	stream.indirect.gather [spmem:s1], $0x40, s14, s24, $0xb8;
	[tilespmem:$0x1FB80] =	vst v63  }
0xa6: {  	s14 =	sor.u32 $0x9000, s6  }
0xa7: {  	[spmem:s2] =	stream.indirect.scatter.add.f32 [tilespmem:s31], [sflag:$0x7], $0x40, s14, s24, $0xb8;
	[tilespmem:$0x1FB80] =	vst v63  }
0xa8: {  	_ =	swait.ge [sflag:s7], $0x2000  }
0xa9: {  	[sflag:s7] =	ssyncset.done $0x0  }
0xaa: {  	[sflag:s7] =	ssyncadd.s32 $0xFFFFE000  }
0xab: {  	_ =	swait.ge [sflag:s10], $0x2000  }
0xac: {  	[sflag:s10] =	ssyncset.done $0x0  }
0xad: {  	s6 =	simm.s32 @!p0 $0xA;
	[sflag:s10] =	ssyncadd.s32 $0xFFFFE000  }
0xae: {  	_ =	swait.ge @!p0 [sflag:s6], $0x800  }
0xaf: {  	s17 =	sor.u32 $0x180, s22;
	[sflag:s6] =	ssyncset.done @!p0 $0x0  }
0xb0: {  	s14 =	sor.u32 @!p0 $0x9000, s17;
	[sflag:s6] =	ssyncadd.s32 @!p0 $0xFFFFF800  }
0xb1: {  	[spmem:s3] =	stream.indirect.scatter.add.f32 @!p0 [tilespmem:s9], [sflag:$0xA], $0x10, s14, s12, $0xb8;
	[tilespmem:$0x1FB80] =	vst v63  }
0xb2: {  	s14 =	sor.u32 $0x8A80, s22  }
0xb3: {  	[tilespmem:s28], [sflag:$0x2] =	stream.indirect.gather [spmem:s1], $0x40, s14, s24, $0xb8;
	[tilespmem:$0x1FB80] =	vst v63  }
0xb4: {  	s17 =	sor.u32 $0x9000, s17  }
0xb5: {  	[spmem:s2] =	stream.indirect.scatter.add.f32 [tilespmem:s4], [sflag:$0x8], $0x40, s17, s24, $0xb8;
	[tilespmem:$0x1FB80] =	vst v63  }
0xb6: {  	_ =	swait.ge [sflag:s29], $0x2000  }
0xb7: {  	[sflag:s29] =	ssyncset.done $0x0  }
0xb8: {  	[sflag:s29] =	ssyncadd.s32 $0xFFFFE000  }
0xb9: {  	_ =	swait.ge [sflag:s11], $0x2000  }
0xba: {  	[sflag:s11] =	ssyncset.done $0x0  }
0xbb: {  	[sflag:s11] =	ssyncadd.s32 $0xFFFFE000  }
0xbc: {  	_ =	swait.ge @!p0 [sflag:s23], $0x800  }
0xbd: {  	s14 =	sor.u32 $0x200, s22;
	[sflag:s23] =	ssyncset.done @!p0 $0x0  }
0xbe: {  	s17 =	sor.u32 @!p0 $0x9000, s14;
	[sflag:s23] =	ssyncadd.s32 @!p0 $0xFFFFF800  }
0xbf: {  	[spmem:s3] =	stream.indirect.scatter.add.f32 @!p0 [tilespmem:s9], [sflag:$0x9], $0x10, s17, s12, $0xb8;
	[tilespmem:$0x1FB80] =	vst v63  }
0xc0: {  	s17 =	sor.u32 $0x8B00, s22  }
0xc1: {  	[tilespmem:s31], [sflag:$0x3] =	stream.indirect.gather [spmem:s1], $0x40, s17, s24, $0xb8;
	[tilespmem:$0x1FB80] =	vst v63  }
0xc2: {  	s14 =	sor.u32 $0x9000, s14  }
0xc3: {  	[spmem:s2] =	stream.indirect.scatter.add.f32 [tilespmem:s5], [sflag:$0x5], $0x40, s14, s24, $0xb8;
	[tilespmem:$0x1FB80] =	vst v63  }
0xc4: {  	_ =	swait.ge [sflag:s0], $0x2000  }
0xc5: {  	[sflag:s0] =	ssyncset.done $0x0  }
0xc6: {  	[sflag:s0] =	ssyncadd.s32 $0xFFFFE000  }
0xc7: {  	_ =	swait.ge [sflag:s13], $0x2000  }
0xc8: {  	[sflag:s13] =	ssyncset.done $0x0  }
0xc9: {  	[sflag:s13] =	ssyncadd.s32 $0xFFFFE000  }
0xca: {  	_ =	swait.ge @!p0 [sflag:s6], $0x800  }
0xcb: {  	s14 =	sor.u32 $0x280, s22;
	[sflag:s6] =	ssyncset.done @!p0 $0x0  }
0xcc: {  	s17 =	sor.u32 @!p0 $0x9000, s14;
	[sflag:s6] =	ssyncadd.s32 @!p0 $0xFFFFF800  }
0xcd: {  	[spmem:s3] =	stream.indirect.scatter.add.f32 @!p0 [tilespmem:s9], [sflag:$0xA], $0x10, s17, s12, $0xb8;
	[tilespmem:$0x1FB80] =	vst v63  }
0xce: {  	s17 =	sor.u32 $0x8B80, s22  }
0xcf: {  	[tilespmem:s4], [sflag:$0x4] =	stream.indirect.gather [spmem:s1], $0x40, s17, s24, $0xb8;
	[tilespmem:$0x1FB80] =	vst v63  }
0xd0: {  	s14 =	sor.u32 $0x9000, s14  }
0xd1: {  	[spmem:s2] =	stream.indirect.scatter.add.f32 [tilespmem:s28], [sflag:$0x6], $0x40, s14, s24, $0xb8;
	[tilespmem:$0x1FB80] =	vst v63  }
0xd2: {  	_ =	swait.ge [sflag:s21], $0x2000  }
0xd3: {  	[sflag:s21] =	ssyncset.done $0x0  }
0xd4: {  	[sflag:s21] =	ssyncadd.s32 $0xFFFFE000  }
0xd5: {  	_ =	swait.ge [sflag:s26], $0x2000  }
0xd6: {  	[sflag:s26] =	ssyncset.done $0x0  }
0xd7: {  	[sflag:s26] =	ssyncadd.s32 $0xFFFFE000  }
0xd8: {  	_ =	swait.ge @!p0 [sflag:s23], $0x800  }
0xd9: {  	s14 =	sor.u32 $0x300, s22;
	[sflag:s23] =	ssyncset.done @!p0 $0x0  }
0xda: {  	s17 =	sor.u32 @!p0 $0x9000, s14;
	[sflag:s23] =	ssyncadd.s32 @!p0 $0xFFFFF800  }
0xdb: {  	[spmem:s3] =	stream.indirect.scatter.add.f32 @!p0 [tilespmem:s9], [sflag:$0x9], $0x10, s17, s12, $0xb8;
	[tilespmem:$0x1FB80] =	vst v63  }
0xdc: {  	s17 =	simm.s32 @!p2 $0xB  }
0xdd: {  	_ =	swait.ge @!p2 [sflag:s17], $0x400  }
0xde: {  	[sflag:s17] =	ssyncset.done @!p2 $0x0  }
0xdf: {  	[sflag:s17] =	ssyncadd.s32 @!p2 $0xFFFFFC00;
	s17 =	simm.s32 @!p2 $0xC  }
0xe0: {  	_ =	swait.ge @!p2 [sflag:s17], $0x400  }
0xe1: {  	[sflag:s17] =	ssyncset.done @!p2 $0x0  }
0xe2: {  	[sflag:s17] =	ssyncadd.s32 @!p2 $0xFFFFFC00;
	s17 =	simm.s32 @!p2 $0x80  }
0xe3: {  	[tilespmem:s8], [sflag:$0x1] =	stream.indirect.gather @!p2 [spmem:s1], $0x40, s18, s17, $0xb8;
	[tilespmem:$0x1FB80] =	vst v63  }
0xe4: {  	s18 =	sor.u32 $0x9000, s14  }
0xe5: {  	[spmem:s2] =	stream.indirect.scatter.add.f32 [tilespmem:s31], [sflag:$0x7], $0x40, s18, s24, $0xb8;
	[tilespmem:$0x1FB80] =	vst v63  }
0xe6: {  	_ =	swait.ge [sflag:s7], $0x2000  }
0xe7: {  	[sflag:s7] =	ssyncset.done $0x0  }
0xe8: {  	[sflag:s7] =	ssyncadd.s32 $0xFFFFE000  }
0xe9: {  	_ =	swait.ge [sflag:s10], $0x2000  }
0xea: {  	[sflag:s10] =	ssyncset.done $0x0  }
.Ltmp11:
0xeb: {  	[sflag:s10] =	ssyncadd.s32 $0xFFFFE000;
	(pc) =	sbr.rel @p2 .LBB2_16-.Ltmp11, $4  }
0xec: {  	_ =	swait.ge @!p0 [sflag:s6], $0x800  }
0xed: {  	s8 =	sor.u32 $0x380, s22;
	[sflag:s6] =	ssyncset.done @!p0 $0x0  }
0xee: {  	s14 =	sor.u32 @!p0 $0x9000, s8;
	s8 =	sor.u32 $0x9000, s8;
	[sflag:s6] =	ssyncadd.s32 @!p0 $0xFFFFF800  }
0xef: {  	[spmem:s3] =	stream.indirect.scatter.add.f32 @!p0 [tilespmem:s9], [sflag:$0xA], $0x10, s14, s12, $0xb8;
	[tilespmem:$0x1FB80] =	vst v63  }
.Ltmp12:
0xf0: {  	s6 =	sshll.u32 s25, $0xA;
	(pc) =	sbr.rel .LBB2_4-.Ltmp12, $4  }
0xf1: {  	s6 =	sor.u32 $0x8880, s6  }
0xf2: {  	[tilespmem:s28], [sflag:$0x2] =	stream.indirect.gather [spmem:s1], $0x40, s6, s24, $0xb8;
	[tilespmem:$0x1FB80] =	vst v63  }
0xf3: {  	s15 =	sadd.s32 $0x1, s15;
	s19 =	sadd.s32 $0x80, s19;
	s16 =	sadd.s32 $0x80, s16  }
0xf4: {  	[spmem:s2] =	stream.indirect.scatter.add.f32 [tilespmem:s4], [sflag:$0x8], $0x40, s8, s24, $0xb8;
	[tilespmem:$0x1FB80] =	vst v63  }
.LBB2_17:
0xf5: {  	_ =	sfence.sel $0x180000  }
0xf6: {  	[bflag:$0x0] =	sbarrier.arrive $0xFFFF  }
0xf7: {  	_ =	strace $0x90000047  }
0xf8: {  	s0 =	stileid.u32;
	[bflag:$0x2] =	sbarrier.arrive $0xFFFF  }
0xf9: {  	p0 =	sne.s32 s0, $0x0;
	s0 =	rddreg [dreg:$0x5]  }
0xfa: {  	s0 =	sadd.s32 @!p0 $0x100000, s0  }
0xfb: {  	[sflag:s0] =	ssyncadd.tile.s32 @!p0 $0x1;
	_ =	shalt  }
.Lfunc_end2:
_tile_overlayer_lowered:
.L_overlay_start_2:
0xfc: {  	(tag) =	ssettag $0x2  }
0xfd: {  	s0 =	rddreg [dreg:$0x0];
	s2 =	stileid.u32  }
0xfe: {  	s1 =	rddreg [dreg:$0x1];
	p0 =	sne.s32 s2, $0x0  }
0xff: {  	s3 =	rddreg [dreg:$0x2];
	[bflag:$0x3] =	sbarrier.arrive $0xFFFF;
	s2 =	simm.s32 @!p0 $0x1C0D  }
0x100: {  	[timem:s3], [sflag:s2] =	dma.local @!p0 [hbm:s0], s1  }
0x101: {  	s0 =	simm.s32 @!p0 $0xD  }
0x102: {  	_ =	swait.ge @!p0 [sflag:s0], s1  }
0x103: {  	s1 =	ssub.s32 @!p0 $0x0, s1;
	[sflag:s0] =	ssyncset.done @!p0 $0x0  }
0x104: {  	[sflag:s0] =	ssyncadd.s32 @!p0 s1  }
0x105: {  	[bflag:$0x3] =	sbarrier.arrive $0xFFFF  }
0x106: {  	_ =	shalt  }

</sc_bundles>
